<compile_context>
chip_gen: v7x
topology: tpu7x:2x2x1
jax: 0.10.2.dev20260603
libtpu: 0.0.44.dev20260713+nightly
codegen_flags: <defaults>
</compile_context>

<pallas_src>
import functools

import jax
import jax.numpy as jnp
from jax import lax
from jax.experimental import pallas as pl
from jax.experimental.pallas import tpu as pltpu
from jax.experimental.pallas import tpu_sc as plsc

NN = 10000
EE = 320000
DD = 128
CC = 40
NC, NS = 2, 16
NWORK = NC * NS

EPW = 8 * EE // NWORK
STG = 2000


def _count_body(edges, zeros_n, counts_out, cbuf, stage):
    c = lax.axis_index("c")
    s = lax.axis_index("s")
    w = c * NS + s
    base = w * EPW
    pltpu.sync_copy(zeros_n, cbuf)
    ones = jnp.full((16,), 1.0, jnp.float32)

    def outer(j, carry):
        pltpu.sync_copy(edges.at[pl.ds(base + j * STG, STG)], stage)

        def inner(i, carry2):
            idx = stage[pl.ds(i * 16, 16)]
            plsc.addupdate_scatter(cbuf, [idx], ones)
            return carry2

        return lax.fori_loop(0, STG // 16, inner, carry)

    lax.fori_loop(0, EPW // STG, outer, 0)
    pltpu.sync_copy(cbuf, counts_out.at[w])


_count_call = pl.kernel(
    _count_body,
    out_type=jax.ShapeDtypeStruct((NWORK, NN), jnp.float32),
    mesh=plsc.VectorSubcoreMesh(core_axis_name="c", subcore_axis_name="s",
                                num_cores=NC, num_subcores=NS),
    scratch_types=[
        pltpu.VMEM((NN,), jnp.float32),
        pltpu.VMEM((STG,), jnp.int32),
    ],
    compiler_params=pltpu.CompilerParams(needs_layout_passes=False),
)

CHUNK = 128
NACC = NN
ZR = 624
ZTAIL = NN - NS * ZR


REAL_PT = EE // NS
CPT = 160
PAD_PT = CPT * CHUNK - REAL_PT
EPT2 = CPT * CHUNK


def _edge_body(xh2, srcs, dsts, zrows, agg_out, acc,
               src_v, src_w, dst_v, rows_v, rows_w, isem, gsem):
    c = lax.axis_index("c")
    s = lax.axis_index("s")
    base = (c * NS + s) * EPT2

    pltpu.sync_copy(zrows.at[pl.ds(0, ZR)], acc.at[pl.ds(s * ZR, ZR)])

    @pl.when(s == 0)
    def _zero_tail():
        pltpu.sync_copy(zrows.at[pl.ds(0, ZTAIL)],
                        acc.at[pl.ds(NS * ZR, ZTAIL)])

    plsc.subcore_barrier()

    def pair(k, carry):
        off = base + 2 * k * CHUNK
        pltpu.sync_copy(srcs.at[pl.ds(off, CHUNK)], src_v)
        cpa = pltpu.async_copy(xh2.at[src_v], rows_v, gsem)
        pltpu.sync_copy(srcs.at[pl.ds(off + CHUNK, CHUNK)], src_w)
        cpb = pltpu.async_copy(xh2.at[src_w], rows_w, isem)
        pltpu.sync_copy(dsts.at[pl.ds(off, CHUNK)], dst_v)
        cpa.wait()
        pltpu.sync_copy(rows_v, acc.at[dst_v], add=True)
        pltpu.sync_copy(dsts.at[pl.ds(off + CHUNK, CHUNK)], dst_v)
        cpb.wait()
        pltpu.sync_copy(rows_w, acc.at[dst_v], add=True)
        return carry

    lax.fori_loop(0, CPT // 2, pair, 0)
    plsc.subcore_barrier()
    pltpu.sync_copy(acc.at[pl.ds(s * ZR, ZR)],
                    agg_out.at[c, pl.ds(s * ZR, ZR)])

    @pl.when(s == 0)
    def _write_tail():
        pltpu.sync_copy(acc.at[pl.ds(NS * ZR, ZTAIL)],
                        agg_out.at[c, pl.ds(NS * ZR, ZTAIL)])


_edge_call = pl.kernel(
    _edge_body,
    out_type=jax.ShapeDtypeStruct((NC, NN, DD), jnp.float32),
    mesh=plsc.VectorSubcoreMesh(core_axis_name="c", subcore_axis_name="s",
                                num_cores=NC, num_subcores=NS),
    scratch_types=[
        pltpu.VMEM_SHARED((NACC, DD), jnp.float32),
        pltpu.VMEM((CHUNK,), jnp.int32),
        pltpu.VMEM((CHUNK,), jnp.int32),
        pltpu.VMEM((CHUNK,), jnp.int32),
        pltpu.VMEM((CHUNK, DD), jnp.float32),
        pltpu.VMEM((CHUNK, DD), jnp.float32),
        pltpu.SemaphoreType.DMA,
        pltpu.SemaphoreType.DMA,
    ],
)

BLK = 2000


def _scale_body(x_ref, c32_ref, xh2_ref, dis_ref):
    i = pl.program_id(0)
    c32 = c32_ref[...]
    r = lax.broadcasted_iota(jnp.int32, (32, 8), 0)
    t = lax.broadcasted_iota(jnp.int32, (32, 8), 1)
    G = (r // 4 == t).astype(jnp.float32)
    deg = jnp.dot(c32, G, preferred_element_type=jnp.float32)
    dis = lax.rsqrt(jnp.maximum(deg, 1.0))
    dis_ref[...] = dis
    scale = jnp.where(i < 5, dis[:, 0:1], dis[:, 2:3])
    xh2_ref[...] = x_ref[...] * scale


def _scale_call(x, c32t):
    return pl.pallas_call(
        _scale_body,
        grid=(10,),
        in_specs=[
            pl.BlockSpec((BLK, DD), lambda i: (i % 5, 0)),
            pl.BlockSpec((BLK, 32), lambda i: (i % 5, 0)),
        ],
        out_specs=[
            pl.BlockSpec((BLK, DD), lambda i: (i, 0)),
            pl.BlockSpec((BLK, 8), lambda i: (i % 5, 0)),
        ],
        out_shape=[
            jax.ShapeDtypeStruct((2 * NN, DD), jnp.float32),
            jax.ShapeDtypeStruct((NN, 8), jnp.float32),
        ],
    )(x, c32t)


def _layer_body(agg_ref, dis_ref, W_ref, b_ref, out_ref):
    a0 = agg_ref[0] * dis_ref[:, 1:2]
    a1 = agg_ref[1] * dis_ref[:, 3:4]
    h = jnp.dot(a0, W_ref[0], preferred_element_type=jnp.float32)
    h += jnp.dot(a1, W_ref[1], preferred_element_type=jnp.float32)
    h = jnp.maximum(0.5 * (h + b_ref[...]), 0.0)
    out_ref[0, :, :] = h * dis_ref[:, 4:5]
    out_ref[1, :, :] = h * dis_ref[:, 6:7]


def _layer_call(agg, dis, W, b):
    return pl.pallas_call(
        _layer_body,
        grid=(5,),
        in_specs=[
            pl.BlockSpec((NC, BLK, DD), lambda i: (0, i, 0)),
            pl.BlockSpec((BLK, 8), lambda i: (i, 0)),
            pl.BlockSpec((NC, DD, DD), lambda i: (0, 0, 0)),
            pl.BlockSpec((1, DD), lambda i: (0, 0)),
        ],
        out_specs=pl.BlockSpec((NC, BLK, DD), lambda i: (0, i, 0)),
        out_shape=jax.ShapeDtypeStruct((NC, NN, DD), jnp.float32),
    )(agg, dis, W, b)


def _final_body(agg_ref, dis_ref, W_ref, b_ref, Wl_ref, bl_ref, out_ref):
    a0 = agg_ref[0] * dis_ref[:, 5:6]
    a1 = agg_ref[1] * dis_ref[:, 7:8]
    h = jnp.dot(a0, W_ref[0], preferred_element_type=jnp.float32)
    h += jnp.dot(a1, W_ref[1], preferred_element_type=jnp.float32)
    h = 0.5 * (h + b_ref[...])
    out_ref[...] = jnp.dot(h, Wl_ref[...],
                           preferred_element_type=jnp.float32) + bl_ref[...]


def _final_call(agg, dis, W, b, Wl, bl):
    return pl.pallas_call(
        _final_body,
        grid=(5,),
        in_specs=[
            pl.BlockSpec((NC, BLK, DD), lambda i: (0, i, 0)),
            pl.BlockSpec((BLK, 8), lambda i: (i, 0)),
            pl.BlockSpec((NC, DD, DD), lambda i: (0, 0, 0)),
            pl.BlockSpec((1, DD), lambda i: (0, 0)),
            pl.BlockSpec((DD, CC), lambda i: (0, 0)),
            pl.BlockSpec((1, CC), lambda i: (0, 0)),
        ],
        out_specs=pl.BlockSpec((BLK, CC), lambda i: (i, 0)),
        out_shape=jax.ShapeDtypeStruct((NN, CC), jnp.float32),
    )(agg, dis, W, b, Wl, bl)


def kernel(x, ei0_cites, ei0_writes, ei1_cites, ei1_writes,
           W0_cites, b0_cites, W0_writes, b0_writes,
           W1_cites, b1_cites, W1_writes, b1_writes,
           W_lin, b_lin):
    all_edges = jnp.concatenate([
        ei0_cites.reshape(-1), ei0_writes.reshape(-1),
        ei1_cites.reshape(-1), ei1_writes.reshape(-1)])
    zeros_n = jnp.zeros((NN,), jnp.float32)
    counts32 = _count_call(all_edges, zeros_n)
    c32t = counts32.T

    xh2_0, dis = _scale_call(x, c32t)

    def pad_idx(a, val):
        a = a.reshape(NWORK, REAL_PT)
        pad = jnp.full((NWORK, PAD_PT), val, jnp.int32)
        return jnp.concatenate([a, pad], axis=1).reshape(-1)

    zfeat = jnp.zeros((8, DD), jnp.float32)
    srcs0 = pad_idx(jnp.concatenate([ei0_cites[0], ei0_writes[0] + NN]),
                    2 * NN)
    dsts0 = pad_idx(jnp.concatenate([ei0_cites[1], ei0_writes[1]]), 0)
    zrows = jnp.zeros((ZR, DD), jnp.float32)
    agg0 = _edge_call(jnp.concatenate([xh2_0, zfeat]), srcs0, dsts0,
                      zrows)

    W0 = jnp.stack([W0_cites, W0_writes])
    xh1 = _layer_call(agg0, dis, W0, (b0_cites + b0_writes).reshape(1, DD))

    srcs1 = pad_idx(jnp.concatenate([ei1_cites[0], ei1_writes[0] + NN]),
                    2 * NN)
    dsts1 = pad_idx(jnp.concatenate([ei1_cites[1], ei1_writes[1]]), 0)
    agg1 = _edge_call(jnp.concatenate([xh1.reshape(2 * NN, DD), zfeat]),
                      srcs1, dsts1, zrows)

    W1 = jnp.stack([W1_cites, W1_writes])
    return _final_call(agg1, dis, W1,
                       (b1_cites + b1_writes).reshape(1, DD),
                       W_lin, b_lin.reshape(1, CC))

# --- scband reference (transcript-rebuilt; emitter-appended) ---
"""Pipeline reference for scband-rgcn-5789615915676 (READ-ONLY COPY).

The authoritative reference and input builder live on the scoring server;
editing this copy changes nothing except your own understanding.
"""

import jax, jax.numpy as jnp
import numpy as np

N = 10000
E = 320000
D = 128
C = 40


def gconv(x, edge_index, W, b):
    # DGL GraphConv with norm='both': D_dst^{-1/2} A D_src^{-1/2} X W + b
    src = edge_index[0]
    dst = edge_index[1]
    ones = jnp.ones((edge_index.shape[1],), x.dtype)
    deg_out = jnp.clip(jax.ops.segment_sum(ones, src, num_segments=N), 1.0)
    deg_in = jnp.clip(jax.ops.segment_sum(ones, dst, num_segments=N), 1.0)
    xh = x * (deg_out ** -0.5)[:, None]
    msg = xh[src]
    agg = jax.ops.segment_sum(msg, dst, num_segments=N)
    agg = agg * (deg_in ** -0.5)[:, None]
    return agg @ W + b


def setup_inputs(seed: int = 0) -> dict:
    key = jax.random.key(seed)
    ks = jax.random.split(key, 16)
    inp = {}
    inp['x'] = jax.random.normal(ks[0], (N, D), dtype=jnp.float32)
    enames = ['ei0_cites', 'ei0_writes', 'ei1_cites', 'ei1_writes']
    for i, nm in enumerate(enames):
        inp[nm] = jax.random.randint(ks[1 + i], (2, E), 0, N, dtype=jnp.int32)
    wnames = ['0_cites', '0_writes', '1_cites', '1_writes']
    for i, nm in enumerate(wnames):
        inp['W' + nm] = jax.random.normal(ks[5 + i], (D, D), dtype=jnp.float32) * 0.05
        inp['b' + nm] = jnp.zeros((D,), jnp.float32)
    inp['W_lin'] = jax.random.normal(ks[9], (D, C), dtype=jnp.float32) * 0.05
    inp['b_lin'] = jnp.zeros((C,), jnp.float32)
    return inp


def reference(x, ei0_cites, ei0_writes, ei1_cites, ei1_writes,
              W0_cites, b0_cites, W0_writes, b0_writes,
              W1_cites, b1_cites, W1_writes, b1_writes,
              W_lin, b_lin):
    # Layer 0: HeteroGraphConv with aggregate='mean' over etypes
    h = (gconv(x, ei0_cites, W0_cites, b0_cites)
         + gconv(x, ei0_writes, W0_writes, b0_writes)) / 2.0
    h = jax.nn.relu(h)  # dropout is identity in eval mode
    # Layer 1 (last layer, no activation)
    h = (gconv(h, ei1_cites, W1_cites, b1_cites)
         + gconv(h, ei1_writes, W1_writes, b1_writes)) / 2.0
    # Final classifier on 'paper' nodes
    return h @ W_lin + b_lin

if __name__ == "__main__":
    import jax
    _d = setup_inputs()
    print(jax.jit(kernel)(*tuple(_d.values())))

</pallas_src>

<mosaic_0001>
#map = affine_map<(d0, d1) -> (0, 0)>
#map1 = affine_map<(d0, d1) -> (0)>
#map2 = affine_map<(d0, d1) -> (0, 0, 0)>
module attributes {stable_mosaic.version = 14 : i64} {
  func.func @_edge_body(%arg0: i32, %arg1: i32, %arg2: memref<20008x128xf32, #tpu.memory_space<hbm>>, %arg3: memref<655360xi32, #tpu.memory_space<hbm>>, %arg4: memref<655360xi32, #tpu.memory_space<hbm>>, %arg5: memref<624x128xf32, #tpu.memory_space<hbm>>, %arg6: memref<2x10000x128xf32, #tpu.memory_space<hbm>>, %arg7: memref<10000x128xf32, #tpu.memory_space<vmem_shared>>, %arg8: memref<128xi32, #tpu.memory_space<vmem>>, %arg9: memref<128xi32, #tpu.memory_space<vmem>>, %arg10: memref<128xi32, #tpu.memory_space<vmem>>, %arg11: memref<128x128xf32, #tpu.memory_space<vmem>>, %arg12: memref<128x128xf32, #tpu.memory_space<vmem>>, %arg13: memref<!tpu.dma_semaphore, #tpu.memory_space<semaphore_mem>>, %arg14: memref<!tpu.dma_semaphore, #tpu.memory_space<semaphore_mem>>) attributes {dimension_semantics = [#tpu.dimension_semantics<core_parallel>, #tpu.dimension_semantics<subcore_parallel>], iteration_bounds = array<i64: 2, 16>, scalar_prefetch = 0 : i64, scratch_operands = 8 : i64, tpu.core_type = #tpu.core_type<sc_vector_subcore>, window_params = [{transform_indices = #map}, {transform_indices = #map1}, {transform_indices = #map1}, {transform_indices = #map}, {transform_indices = #map2}]} {
    %mul3A = arith.constant 16 : i32
    %mul3A_0 = arith.muli %arg0, %mul3A : i32
    %add3A = arith.addi %mul3A_0, %arg1 : i32
    %mul3A_1 = arith.constant 20480 : i32
    %mul3A_2 = arith.muli %add3A, %mul3A_1 : i32
    %mul3A_3 = arith.constant 624 : i32
    %mul3A_4 = arith.muli %arg1, %mul3A_3 : i32
    "tpu.region"() ({
      %run_scoped3A = tpu.sem_alloc : memref<!tpu.dma_semaphore, #tpu.memory_space<semaphore_mem>>
      %dma_start3A = arith.constant 0 : i32
      %dma_start3A_22 = tpu.memref_slice %arg7[%mul3A_4, %dma_start3A] : memref<10000x128xf32, #tpu.memory_space<vmem_shared>> -> memref<624x128xf32, #tpu.memory_space<vmem_shared>>
      %dma_start3A_23 = arith.constant 0 : i32
      %dma_start3A_24 = arith.constant 0 : i32
      %dma_start3A_25 = tpu.memref_slice %arg5[%dma_start3A_23, %dma_start3A_24] : memref<624x128xf32, #tpu.memory_space<hbm>> -> memref<624x128xf32, #tpu.memory_space<hbm>>
      tpu.enqueue_dma source(%dma_start3A_25 : memref<624x128xf32, #tpu.memory_space<hbm>>) target(%dma_start3A_22 : memref<624x128xf32, #tpu.memory_space<vmem_shared>>) target_semaphore(%run_scoped3A : memref<!tpu.dma_semaphore, #tpu.memory_space<semaphore_mem>>)
      %dma_wait3A = arith.constant 0 : i32
      %dma_wait3A_26 = tpu.memref_slice %arg7[%mul3A_4, %dma_wait3A] : memref<10000x128xf32, #tpu.memory_space<vmem_shared>> -> memref<624x128xf32, #tpu.memory_space<vmem_shared>>
      %dma_wait3A_27 = arith.constant 0 : i32
      %dma_wait3A_28 = arith.constant 0 : i32
      %dma_wait3A_29 = tpu.memref_slice %arg5[%dma_wait3A_27, %dma_wait3A_28] : memref<624x128xf32, #tpu.memory_space<hbm>> -> memref<624x128xf32, #tpu.memory_space<hbm>>
      tpu.wait_dma2 semaphore(%run_scoped3A : memref<!tpu.dma_semaphore, #tpu.memory_space<semaphore_mem>>) src(%dma_wait3A_29 : memref<624x128xf32, #tpu.memory_space<hbm>>) dst(%dma_wait3A_26 : memref<624x128xf32, #tpu.memory_space<vmem_shared>>)
      tpu.yield
    }) : () -> ()
    %eq3A = arith.constant 0 : i32
    %eq3A_5 = arith.cmpi eq, %arg1, %eq3A : i32
    %convert_element_type3A = arith.extui %eq3A_5 : i1 to i32
    %cond3A = arith.constant 0 : i32
    %cond3A_6 = arith.cmpi ne, %convert_element_type3A, %cond3A : i32
    scf.if %cond3A_6 {
      "tpu.region"() ({
        %run_scoped3A = tpu.sem_alloc : memref<!tpu.dma_semaphore, #tpu.memory_space<semaphore_mem>>
        %dma_start3A = arith.constant 9984 : i32
        %dma_start3A_22 = arith.constant 0 : i32
        %dma_start3A_23 = tpu.memref_slice %arg7[%dma_start3A, %dma_start3A_22] : memref<10000x128xf32, #tpu.memory_space<vmem_shared>> -> memref<16x128xf32, #tpu.memory_space<vmem_shared>>
        %dma_start3A_24 = arith.constant 0 : i32
        %dma_start3A_25 = arith.constant 0 : i32
        %dma_start3A_26 = tpu.memref_slice %arg5[%dma_start3A_24, %dma_start3A_25] : memref<624x128xf32, #tpu.memory_space<hbm>> -> memref<16x128xf32, #tpu.memory_space<hbm>>
        tpu.enqueue_dma source(%dma_start3A_26 : memref<16x128xf32, #tpu.memory_space<hbm>>) target(%dma_start3A_23 : memref<16x128xf32, #tpu.memory_space<vmem_shared>>) target_semaphore(%run_scoped3A : memref<!tpu.dma_semaphore, #tpu.memory_space<semaphore_mem>>)
        %dma_wait3A = arith.constant 9984 : i32
        %dma_wait3A_27 = arith.constant 0 : i32
        %dma_wait3A_28 = tpu.memref_slice %arg7[%dma_wait3A, %dma_wait3A_27] : memref<10000x128xf32, #tpu.memory_space<vmem_shared>> -> memref<16x128xf32, #tpu.memory_space<vmem_shared>>
        %dma_wait3A_29 = arith.constant 0 : i32
        %dma_wait3A_30 = arith.constant 0 : i32
        %dma_wait3A_31 = tpu.memref_slice %arg5[%dma_wait3A_29, %dma_wait3A_30] : memref<624x128xf32, #tpu.memory_space<hbm>> -> memref<16x128xf32, #tpu.memory_space<hbm>>
        tpu.wait_dma2 semaphore(%run_scoped3A : memref<!tpu.dma_semaphore, #tpu.memory_space<semaphore_mem>>) src(%dma_wait3A_31 : memref<16x128xf32, #tpu.memory_space<hbm>>) dst(%dma_wait3A_28 : memref<16x128xf32, #tpu.memory_space<vmem_shared>>)
        tpu.yield
      }) : () -> ()
    } else {
    }
    %barrier3A = arith.constant 0 : index
    tpu.barrier barrier_id(%barrier3A)
    %scan3A = arith.constant 0 : i32
    %scan3A_7 = arith.constant 0 : i32
    %scan3A_8 = arith.constant 80 : i32
    %scan3A_9 = arith.addi %scan3A_7, %scan3A_8 : i32
    %scan3A_10 = arith.constant 1 : i32
    scf.for %scan3A_22 = %scan3A_7 to %scan3A_9 step %scan3A_10  : i32 {
      %mul3A_23 = arith.constant 2 : i32
      %mul3A_24 = arith.muli %mul3A_23, %scan3A_22 : i32
      %mul3A_25 = arith.constant 128 : i32
      %mul3A_26 = arith.muli %mul3A_24, %mul3A_25 : i32
      %add3A_27 = arith.addi %mul3A_2, %mul3A_26 : i32
      "tpu.region"() ({
        %run_scoped3A = tpu.sem_alloc : memref<!tpu.dma_semaphore, #tpu.memory_space<semaphore_mem>>
        %dma_start3A_42 = tpu.memref_slice %arg3[%add3A_27] : memref<655360xi32, #tpu.memory_space<hbm>> -> memref<128xi32, #tpu.memory_space<hbm>>
        %dma_start3A_43 = tpu.memref_slice %arg3[%add3A_27] : memref<655360xi32, #tpu.memory_space<hbm>> -> memref<128xi32, #tpu.memory_space<hbm>>
        tpu.enqueue_dma source(%dma_start3A_43 : memref<128xi32, #tpu.memory_space<hbm>>) target(%arg8 : memref<128xi32, #tpu.memory_space<vmem>>) target_semaphore(%run_scoped3A : memref<!tpu.dma_semaphore, #tpu.memory_space<semaphore_mem>>)
        %dma_wait3A_44 = tpu.memref_slice %arg3[%add3A_27] : memref<655360xi32, #tpu.memory_space<hbm>> -> memref<128xi32, #tpu.memory_space<hbm>>
        %dma_wait3A_45 = tpu.memref_slice %arg3[%add3A_27] : memref<655360xi32, #tpu.memory_space<hbm>> -> memref<128xi32, #tpu.memory_space<hbm>>
        tpu.wait_dma2 semaphore(%run_scoped3A : memref<!tpu.dma_semaphore, #tpu.memory_space<semaphore_mem>>) src(%dma_wait3A_45 : memref<128xi32, #tpu.memory_space<hbm>>) dst(%arg8 : memref<128xi32, #tpu.memory_space<vmem>>)
        tpu.yield
      }) : () -> ()
      %dma_start3A = arith.constant 0 : i32
      %dma_start3A_28 = arith.constant 0 : i32
      %dma_start3A_29 = tpu.memref_slice %arg2[%dma_start3A, %dma_start3A_28] : memref<20008x128xf32, #tpu.memory_space<hbm>> -> memref<20008x128xf32, #tpu.memory_space<hbm>>
      tpu.enqueue_indirect_dma source(%dma_start3A_29 : memref<20008x128xf32, #tpu.memory_space<hbm>>) target(%arg11 : memref<128x128xf32, #tpu.memory_space<vmem>>) offsets(%arg8 : memref<128xi32, #tpu.memory_space<vmem>>) semaphore(%arg14 : memref<!tpu.dma_semaphore, #tpu.memory_space<semaphore_mem>>)
      %add3A_30 = arith.constant 128 : i32
      %add3A_31 = arith.addi %add3A_27, %add3A_30 : i32
      "tpu.region"() ({
        %run_scoped3A = tpu.sem_alloc : memref<!tpu.dma_semaphore, #tpu.memory_space<semaphore_mem>>
        %dma_start3A_42 = tpu.memref_slice %arg3[%add3A_31] : memref<655360xi32, #tpu.memory_space<hbm>> -> memref<128xi32, #tpu.memory_space<hbm>>
        %dma_start3A_43 = tpu.memref_slice %arg3[%add3A_31] : memref<655360xi32, #tpu.memory_space<hbm>> -> memref<128xi32, #tpu.memory_space<hbm>>
        tpu.enqueue_dma source(%dma_start3A_43 : memref<128xi32, #tpu.memory_space<hbm>>) target(%arg9 : memref<128xi32, #tpu.memory_space<vmem>>) target_semaphore(%run_scoped3A : memref<!tpu.dma_semaphore, #tpu.memory_space<semaphore_mem>>)
        %dma_wait3A_44 = tpu.memref_slice %arg3[%add3A_31] : memref<655360xi32, #tpu.memory_space<hbm>> -> memref<128xi32, #tpu.memory_space<hbm>>
        %dma_wait3A_45 = tpu.memref_slice %arg3[%add3A_31] : memref<655360xi32, #tpu.memory_space<hbm>> -> memref<128xi32, #tpu.memory_space<hbm>>
        tpu.wait_dma2 semaphore(%run_scoped3A : memref<!tpu.dma_semaphore, #tpu.memory_space<semaphore_mem>>) src(%dma_wait3A_45 : memref<128xi32, #tpu.memory_space<hbm>>) dst(%arg9 : memref<128xi32, #tpu.memory_space<vmem>>)
        tpu.yield
      }) : () -> ()
      %dma_start3A_32 = arith.constant 0 : i32
      %dma_start3A_33 = arith.constant 0 : i32
      %dma_start3A_34 = tpu.memref_slice %arg2[%dma_start3A_32, %dma_start3A_33] : memref<20008x128xf32, #tpu.memory_space<hbm>> -> memref<20008x128xf32, #tpu.memory_space<hbm>>
      tpu.enqueue_indirect_dma source(%dma_start3A_34 : memref<20008x128xf32, #tpu.memory_space<hbm>>) target(%arg12 : memref<128x128xf32, #tpu.memory_space<vmem>>) offsets(%arg9 : memref<128xi32, #tpu.memory_space<vmem>>) semaphore(%arg13 : memref<!tpu.dma_semaphore, #tpu.memory_space<semaphore_mem>>)
      "tpu.region"() ({
        %run_scoped3A = tpu.sem_alloc : memref<!tpu.dma_semaphore, #tpu.memory_space<semaphore_mem>>
        %dma_start3A_42 = tpu.memref_slice %arg4[%add3A_27] : memref<655360xi32, #tpu.memory_space<hbm>> -> memref<128xi32, #tpu.memory_space<hbm>>
        %dma_start3A_43 = tpu.memref_slice %arg4[%add3A_27] : memref<655360xi32, #tpu.memory_space<hbm>> -> memref<128xi32, #tpu.memory_space<hbm>>
        tpu.enqueue_dma source(%dma_start3A_43 : memref<128xi32, #tpu.memory_space<hbm>>) target(%arg10 : memref<128xi32, #tpu.memory_space<vmem>>) target_semaphore(%run_scoped3A : memref<!tpu.dma_semaphore, #tpu.memory_space<semaphore_mem>>)
        %dma_wait3A_44 = tpu.memref_slice %arg4[%add3A_27] : memref<655360xi32, #tpu.memory_space<hbm>> -> memref<128xi32, #tpu.memory_space<hbm>>
        %dma_wait3A_45 = tpu.memref_slice %arg4[%add3A_27] : memref<655360xi32, #tpu.memory_space<hbm>> -> memref<128xi32, #tpu.memory_space<hbm>>
        tpu.wait_dma2 semaphore(%run_scoped3A : memref<!tpu.dma_semaphore, #tpu.memory_space<semaphore_mem>>) src(%dma_wait3A_45 : memref<128xi32, #tpu.memory_space<hbm>>) dst(%arg10 : memref<128xi32, #tpu.memory_space<vmem>>)
        tpu.yield
      }) : () -> ()
      %dma_wait3A = arith.constant 0 : i32
      %dma_wait3A_35 = arith.constant 0 : i32
      %dma_wait3A_36 = tpu.memref_slice %arg2[%dma_wait3A, %dma_wait3A_35] : memref<20008x128xf32, #tpu.memory_space<hbm>> -> memref<20008x128xf32, #tpu.memory_space<hbm>>
      tpu.wait_indirect_dma semaphore(%arg14 : memref<!tpu.dma_semaphore, #tpu.memory_space<semaphore_mem>>) src(%dma_wait3A_36 : memref<20008x128xf32, #tpu.memory_space<hbm>>) dst(%arg11 : memref<128x128xf32, #tpu.memory_space<vmem>>)
      "tpu.region"() ({
        %run_scoped3A = tpu.sem_alloc : memref<!tpu.dma_semaphore, #tpu.memory_space<semaphore_mem>>
        %dma_start3A_42 = arith.constant 0 : i32
        %dma_start3A_43 = arith.constant 0 : i32
        %dma_start3A_44 = tpu.memref_slice %arg7[%dma_start3A_42, %dma_start3A_43] : memref<10000x128xf32, #tpu.memory_space<vmem_shared>> -> memref<10000x128xf32, #tpu.memory_space<vmem_shared>>
        tpu.enqueue_indirect_dma source(%arg11 : memref<128x128xf32, #tpu.memory_space<vmem>>) target(%dma_start3A_44 : memref<10000x128xf32, #tpu.memory_space<vmem_shared>>) offsets(%arg10 : memref<128xi32, #tpu.memory_space<vmem>>) semaphore(%run_scoped3A : memref<!tpu.dma_semaphore, #tpu.memory_space<semaphore_mem>>) {add = true}
        %dma_wait3A_45 = arith.constant 0 : i32
        %dma_wait3A_46 = arith.constant 0 : i32
        %dma_wait3A_47 = tpu.memref_slice %arg7[%dma_wait3A_45, %dma_wait3A_46] : memref<10000x128xf32, #tpu.memory_space<vmem_shared>> -> memref<10000x128xf32, #tpu.memory_space<vmem_shared>>
        tpu.wait_indirect_dma semaphore(%run_scoped3A : memref<!tpu.dma_semaphore, #tpu.memory_space<semaphore_mem>>) src(%arg11 : memref<128x128xf32, #tpu.memory_space<vmem>>) dst(%dma_wait3A_47 : memref<10000x128xf32, #tpu.memory_space<vmem_shared>>)
        tpu.yield
      }) : () -> ()
      %add3A_37 = arith.constant 128 : i32
      %add3A_38 = arith.addi %add3A_27, %add3A_37 : i32
      "tpu.region"() ({
        %run_scoped3A = tpu.sem_alloc : memref<!tpu.dma_semaphore, #tpu.memory_space<semaphore_mem>>
        %dma_start3A_42 = tpu.memref_slice %arg4[%add3A_38] : memref<655360xi32, #tpu.memory_space<hbm>> -> memref<128xi32, #tpu.memory_space<hbm>>
        %dma_start3A_43 = tpu.memref_slice %arg4[%add3A_38] : memref<655360xi32, #tpu.memory_space<hbm>> -> memref<128xi32, #tpu.memory_space<hbm>>
        tpu.enqueue_dma source(%dma_start3A_43 : memref<128xi32, #tpu.memory_space<hbm>>) target(%arg10 : memref<128xi32, #tpu.memory_space<vmem>>) target_semaphore(%run_scoped3A : memref<!tpu.dma_semaphore, #tpu.memory_space<semaphore_mem>>)
        %dma_wait3A_44 = tpu.memref_slice %arg4[%add3A_38] : memref<655360xi32, #tpu.memory_space<hbm>> -> memref<128xi32, #tpu.memory_space<hbm>>
        %dma_wait3A_45 = tpu.memref_slice %arg4[%add3A_38] : memref<655360xi32, #tpu.memory_space<hbm>> -> memref<128xi32, #tpu.memory_space<hbm>>
        tpu.wait_dma2 semaphore(%run_scoped3A : memref<!tpu.dma_semaphore, #tpu.memory_space<semaphore_mem>>) src(%dma_wait3A_45 : memref<128xi32, #tpu.memory_space<hbm>>) dst(%arg10 : memref<128xi32, #tpu.memory_space<vmem>>)
        tpu.yield
      }) : () -> ()
      %dma_wait3A_39 = arith.constant 0 : i32
      %dma_wait3A_40 = arith.constant 0 : i32
      %dma_wait3A_41 = tpu.memref_slice %arg2[%dma_wait3A_39, %dma_wait3A_40] : memref<20008x128xf32, #tpu.memory_space<hbm>> -> memref<20008x128xf32, #tpu.memory_space<hbm>>
      tpu.wait_indirect_dma semaphore(%arg13 : memref<!tpu.dma_semaphore, #tpu.memory_space<semaphore_mem>>) src(%dma_wait3A_41 : memref<20008x128xf32, #tpu.memory_space<hbm>>) dst(%arg12 : memref<128x128xf32, #tpu.memory_space<vmem>>)
      "tpu.region"() ({
        %run_scoped3A = tpu.sem_alloc : memref<!tpu.dma_semaphore, #tpu.memory_space<semaphore_mem>>
        %dma_start3A_42 = arith.constant 0 : i32
        %dma_start3A_43 = arith.constant 0 : i32
        %dma_start3A_44 = tpu.memref_slice %arg7[%dma_start3A_42, %dma_start3A_43] : memref<10000x128xf32, #tpu.memory_space<vmem_shared>> -> memref<10000x128xf32, #tpu.memory_space<vmem_shared>>
        tpu.enqueue_indirect_dma source(%arg12 : memref<128x128xf32, #tpu.memory_space<vmem>>) target(%dma_start3A_44 : memref<10000x128xf32, #tpu.memory_space<vmem_shared>>) offsets(%arg10 : memref<128xi32, #tpu.memory_space<vmem>>) semaphore(%run_scoped3A : memref<!tpu.dma_semaphore, #tpu.memory_space<semaphore_mem>>) {add = true}
        %dma_wait3A_45 = arith.constant 0 : i32
        %dma_wait3A_46 = arith.constant 0 : i32
        %dma_wait3A_47 = tpu.memref_slice %arg7[%dma_wait3A_45, %dma_wait3A_46] : memref<10000x128xf32, #tpu.memory_space<vmem_shared>> -> memref<10000x128xf32, #tpu.memory_space<vmem_shared>>
        tpu.wait_indirect_dma semaphore(%run_scoped3A : memref<!tpu.dma_semaphore, #tpu.memory_space<semaphore_mem>>) src(%arg12 : memref<128x128xf32, #tpu.memory_space<vmem>>) dst(%dma_wait3A_47 : memref<10000x128xf32, #tpu.memory_space<vmem_shared>>)
        tpu.yield
      }) : () -> ()
    }
    %scan3A_11 = arith.constant 80 : i32
    %barrier3A_12 = arith.constant 0 : index
    tpu.barrier barrier_id(%barrier3A_12)
    %mul3A_13 = arith.constant 624 : i32
    %mul3A_14 = arith.muli %arg1, %mul3A_13 : i32
    %mul3A_15 = arith.constant 624 : i32
    %mul3A_16 = arith.muli %arg1, %mul3A_15 : i32
    "tpu.region"() ({
      %run_scoped3A = tpu.sem_alloc : memref<!tpu.dma_semaphore, #tpu.memory_space<semaphore_mem>>
      %dma_start3A = arith.constant 0 : i32
      %dma_start3A_22 = tpu.memref_slice %arg6[%arg0, %mul3A_16, %dma_start3A] : memref<2x10000x128xf32, #tpu.memory_space<hbm>> -> memref<1x624x128xf32, #tpu.memory_space<hbm>>
      %dma_start3A_23 = tpu.memref_squeeze %dma_start3A_22 : memref<1x624x128xf32, #tpu.memory_space<hbm>> -> memref<624x128xf32, #tpu.memory_space<hbm>>
      %dma_start3A_24 = arith.constant 0 : i32
      %dma_start3A_25 = tpu.memref_slice %arg7[%mul3A_14, %dma_start3A_24] : memref<10000x128xf32, #tpu.memory_space<vmem_shared>> -> memref<624x128xf32, #tpu.memory_space<vmem_shared>>
      tpu.enqueue_dma source(%dma_start3A_25 : memref<624x128xf32, #tpu.memory_space<vmem_shared>>) target(%dma_start3A_23 : memref<624x128xf32, #tpu.memory_space<hbm>>) target_semaphore(%run_scoped3A : memref<!tpu.dma_semaphore, #tpu.memory_space<semaphore_mem>>)
      %dma_wait3A = arith.constant 0 : i32
      %dma_wait3A_26 = tpu.memref_slice %arg6[%arg0, %mul3A_16, %dma_wait3A] : memref<2x10000x128xf32, #tpu.memory_space<hbm>> -> memref<1x624x128xf32, #tpu.memory_space<hbm>>
      %dma_wait3A_27 = tpu.memref_squeeze %dma_wait3A_26 : memref<1x624x128xf32, #tpu.memory_space<hbm>> -> memref<624x128xf32, #tpu.memory_space<hbm>>
      %dma_wait3A_28 = arith.constant 0 : i32
      %dma_wait3A_29 = tpu.memref_slice %arg7[%mul3A_14, %dma_wait3A_28] : memref<10000x128xf32, #tpu.memory_space<vmem_shared>> -> memref<624x128xf32, #tpu.memory_space<vmem_shared>>
      tpu.wait_dma2 semaphore(%run_scoped3A : memref<!tpu.dma_semaphore, #tpu.memory_space<semaphore_mem>>) src(%dma_wait3A_29 : memref<624x128xf32, #tpu.memory_space<vmem_shared>>) dst(%dma_wait3A_27 : memref<624x128xf32, #tpu.memory_space<hbm>>)
      tpu.yield
    }) : () -> ()
    %eq3A_17 = arith.constant 0 : i32
    %eq3A_18 = arith.cmpi eq, %arg1, %eq3A_17 : i32
    %convert_element_type3A_19 = arith.extui %eq3A_18 : i1 to i32
    %cond3A_20 = arith.constant 0 : i32
    %cond3A_21 = arith.cmpi ne, %convert_element_type3A_19, %cond3A_20 : i32
    scf.if %cond3A_21 {
      "tpu.region"() ({
        %run_scoped3A = tpu.sem_alloc : memref<!tpu.dma_semaphore, #tpu.memory_space<semaphore_mem>>
        %dma_start3A = arith.constant 9984 : i32
        %dma_start3A_22 = arith.constant 0 : i32
        %dma_start3A_23 = tpu.memref_slice %arg6[%arg0, %dma_start3A, %dma_start3A_22] : memref<2x10000x128xf32, #tpu.memory_space<hbm>> -> memref<1x16x128xf32, #tpu.memory_space<hbm>>
        %dma_start3A_24 = tpu.memref_squeeze %dma_start3A_23 : memref<1x16x128xf32, #tpu.memory_space<hbm>> -> memref<16x128xf32, #tpu.memory_space<hbm>>
        %dma_start3A_25 = arith.constant 9984 : i32
        %dma_start3A_26 = arith.constant 0 : i32
        %dma_start3A_27 = tpu.memref_slice %arg7[%dma_start3A_25, %dma_start3A_26] : memref<10000x128xf32, #tpu.memory_space<vmem_shared>> -> memref<16x128xf32, #tpu.memory_space<vmem_shared>>
        tpu.enqueue_dma source(%dma_start3A_27 : memref<16x128xf32, #tpu.memory_space<vmem_shared>>) target(%dma_start3A_24 : memref<16x128xf32, #tpu.memory_space<hbm>>) target_semaphore(%run_scoped3A : memref<!tpu.dma_semaphore, #tpu.memory_space<semaphore_mem>>)
        %dma_wait3A = arith.constant 9984 : i32
        %dma_wait3A_28 = arith.constant 0 : i32
        %dma_wait3A_29 = tpu.memref_slice %arg6[%arg0, %dma_wait3A, %dma_wait3A_28] : memref<2x10000x128xf32, #tpu.memory_space<hbm>> -> memref<1x16x128xf32, #tpu.memory_space<hbm>>
        %dma_wait3A_30 = tpu.memref_squeeze %dma_wait3A_29 : memref<1x16x128xf32, #tpu.memory_space<hbm>> -> memref<16x128xf32, #tpu.memory_space<hbm>>
        %dma_wait3A_31 = arith.constant 9984 : i32
        %dma_wait3A_32 = arith.constant 0 : i32
        %dma_wait3A_33 = tpu.memref_slice %arg7[%dma_wait3A_31, %dma_wait3A_32] : memref<10000x128xf32, #tpu.memory_space<vmem_shared>> -> memref<16x128xf32, #tpu.memory_space<vmem_shared>>
        tpu.wait_dma2 semaphore(%run_scoped3A : memref<!tpu.dma_semaphore, #tpu.memory_space<semaphore_mem>>) src(%dma_wait3A_33 : memref<16x128xf32, #tpu.memory_space<vmem_shared>>) dst(%dma_wait3A_30 : memref<16x128xf32, #tpu.memory_space<hbm>>)
        tpu.yield
      }) : () -> ()
    } else {
    }
    return
  }
}

#map = affine_map<(d0, d1) -> (0)>
#map1 = affine_map<(d0, d1) -> (0, 0)>
module attributes {stable_mosaic.version = 14 : i64} {
  func.func @_count_body(%arg0: i32, %arg1: i32, %arg2: memref<2560000xi32, #tpu.memory_space<hbm>>, %arg3: memref<10000xf32, #tpu.memory_space<hbm>>, %arg4: memref<32x10000xf32, #tpu.memory_space<hbm>>, %arg5: memref<10000xf32, #tpu.memory_space<vmem>>, %arg6: memref<2000xi32, #tpu.memory_space<vmem>>) attributes {dimension_semantics = [#tpu.dimension_semantics<core_parallel>, #tpu.dimension_semantics<subcore_parallel>], iteration_bounds = array<i64: 2, 16>, scalar_prefetch = 0 : i64, scratch_operands = 2 : i64, tpu.core_type = #tpu.core_type<sc_vector_subcore>, window_params = [{transform_indices = #map}, {transform_indices = #map}, {transform_indices = #map1}]} {
    %mul3A = arith.constant 16 : i32
    %mul3A_0 = arith.muli %arg0, %mul3A : i32
    %add3A = arith.addi %mul3A_0, %arg1 : i32
    %mul3A_1 = arith.constant 80000 : i32
    %mul3A_2 = arith.muli %add3A, %mul3A_1 : i32
    "tpu.region"() ({
      %run_scoped3A = tpu.sem_alloc : memref<!tpu.dma_semaphore, #tpu.memory_space<semaphore_mem>>
      tpu.enqueue_dma source(%arg3 : memref<10000xf32, #tpu.memory_space<hbm>>) target(%arg5 : memref<10000xf32, #tpu.memory_space<vmem>>) target_semaphore(%run_scoped3A : memref<!tpu.dma_semaphore, #tpu.memory_space<semaphore_mem>>)
      tpu.wait_dma2 semaphore(%run_scoped3A : memref<!tpu.dma_semaphore, #tpu.memory_space<semaphore_mem>>) src(%arg3 : memref<10000xf32, #tpu.memory_space<hbm>>) dst(%arg5 : memref<10000xf32, #tpu.memory_space<vmem>>)
      tpu.yield
    }) : () -> ()
    %broadcast_in_dim3A = arith.constant 1.000000e+00 : f32
    %broadcast_in_dim3A_3 = vector.broadcast %broadcast_in_dim3A : f32 to vector<16xf32>
    %scan3A = arith.constant 0 : i32
    %scan3A_4 = arith.constant 0 : i32
    %scan3A_5 = arith.constant 40 : i32
    %scan3A_6 = arith.addi %scan3A_4, %scan3A_5 : i32
    %scan3A_7 = arith.constant 1 : i32
    scf.for %scan3A_9 = %scan3A_4 to %scan3A_6 step %scan3A_7  : i32 {
      %mul3A_10 = arith.constant 2000 : i32
      %mul3A_11 = arith.muli %scan3A_9, %mul3A_10 : i32
      %add3A_12 = arith.addi %mul3A_2, %mul3A_11 : i32
      "tpu.region"() ({
        %run_scoped3A = tpu.sem_alloc : memref<!tpu.dma_semaphore, #tpu.memory_space<semaphore_mem>>
        %dma_start3A = tpu.memref_slice %arg2[%add3A_12] : memref<2560000xi32, #tpu.memory_space<hbm>> -> memref<2000xi32, #tpu.memory_space<hbm>>
        %dma_start3A_18 = tpu.memref_slice %arg2[%add3A_12] : memref<2560000xi32, #tpu.memory_space<hbm>> -> memref<2000xi32, #tpu.memory_space<hbm>>
        tpu.enqueue_dma source(%dma_start3A_18 : memref<2000xi32, #tpu.memory_space<hbm>>) target(%arg6 : memref<2000xi32, #tpu.memory_space<vmem>>) target_semaphore(%run_scoped3A : memref<!tpu.dma_semaphore, #tpu.memory_space<semaphore_mem>>)
        %dma_wait3A = tpu.memref_slice %arg2[%add3A_12] : memref<2560000xi32, #tpu.memory_space<hbm>> -> memref<2000xi32, #tpu.memory_space<hbm>>
        %dma_wait3A_19 = tpu.memref_slice %arg2[%add3A_12] : memref<2560000xi32, #tpu.memory_space<hbm>> -> memref<2000xi32, #tpu.memory_space<hbm>>
        tpu.wait_dma2 semaphore(%run_scoped3A : memref<!tpu.dma_semaphore, #tpu.memory_space<semaphore_mem>>) src(%dma_wait3A_19 : memref<2000xi32, #tpu.memory_space<hbm>>) dst(%arg6 : memref<2000xi32, #tpu.memory_space<vmem>>)
        tpu.yield
      }) : () -> ()
      %scan3A_13 = arith.constant 0 : i32
      %scan3A_14 = arith.constant 125 : i32
      %scan3A_15 = arith.addi %scan3A_13, %scan3A_14 : i32
      %scan3A_16 = arith.constant 1 : i32
      scf.for %scan3A_18 = %scan3A_13 to %scan3A_15 step %scan3A_16  : i32 {
        %mul3A_19 = arith.constant 16 : i32
        %mul3A_20 = arith.muli %scan3A_18, %mul3A_19 : i32
        %get3A = arith.index_cast %mul3A_20 : i32 to index
        %get3A_21 = tpu.vector_load %arg6[%get3A] {strides = array<i32>} : memref<2000xi32, #tpu.memory_space<vmem>>, vector<16xi32>,
        tpu.vector_store_idx %arg5[%get3A_21], %broadcast_in_dim3A_3 {add = true} : memref<10000xf32, #tpu.memory_space<vmem>>[vector<16xi32>], vector<16xf32>,
      }
      %scan3A_17 = arith.constant 125 : i32
    }
    %scan3A_8 = arith.constant 40 : i32
    "tpu.region"() ({
      %run_scoped3A = tpu.sem_alloc : memref<!tpu.dma_semaphore, #tpu.memory_space<semaphore_mem>>
      %dma_start3A = arith.constant 0 : i32
      %dma_start3A_9 = tpu.memref_slice %arg4[%add3A, %dma_start3A] : memref<32x10000xf32, #tpu.memory_space<hbm>> -> memref<1x10000xf32, #tpu.memory_space<hbm>>
      %dma_start3A_10 = tpu.memref_squeeze %dma_start3A_9 : memref<1x10000xf32, #tpu.memory_space<hbm>> -> memref<10000xf32, #tpu.memory_space<hbm>>
      %dma_start3A_11 = arith.constant 0 : i32
      %dma_start3A_12 = tpu.memref_slice %arg4[%add3A, %dma_start3A_11] : memref<32x10000xf32, #tpu.memory_space<hbm>> -> memref<1x10000xf32, #tpu.memory_space<hbm>>
      %dma_start3A_13 = tpu.memref_squeeze %dma_start3A_12 : memref<1x10000xf32, #tpu.memory_space<hbm>> -> memref<10000xf32, #tpu.memory_space<hbm>>
      tpu.enqueue_dma source(%arg5 : memref<10000xf32, #tpu.memory_space<vmem>>) target(%dma_start3A_13 : memref<10000xf32, #tpu.memory_space<hbm>>) target_semaphore(%run_scoped3A : memref<!tpu.dma_semaphore, #tpu.memory_space<semaphore_mem>>)
      %dma_wait3A = arith.constant 0 : i32
      %dma_wait3A_14 = tpu.memref_slice %arg4[%add3A, %dma_wait3A] : memref<32x10000xf32, #tpu.memory_space<hbm>> -> memref<1x10000xf32, #tpu.memory_space<hbm>>
      %dma_wait3A_15 = tpu.memref_squeeze %dma_wait3A_14 : memref<1x10000xf32, #tpu.memory_space<hbm>> -> memref<10000xf32, #tpu.memory_space<hbm>>
      %dma_wait3A_16 = arith.constant 0 : i32
      %dma_wait3A_17 = tpu.memref_slice %arg4[%add3A, %dma_wait3A_16] : memref<32x10000xf32, #tpu.memory_space<hbm>> -> memref<1x10000xf32, #tpu.memory_space<hbm>>
      %dma_wait3A_18 = tpu.memref_squeeze %dma_wait3A_17 : memref<1x10000xf32, #tpu.memory_space<hbm>> -> memref<10000xf32, #tpu.memory_space<hbm>>
      tpu.wait_dma2 semaphore(%run_scoped3A : memref<!tpu.dma_semaphore, #tpu.memory_space<semaphore_mem>>) src(%arg5 : memref<10000xf32, #tpu.memory_space<vmem>>) dst(%dma_wait3A_18 : memref<10000xf32, #tpu.memory_space<hbm>>)
      tpu.yield
    }) : () -> ()
    return
  }
}

#map = affine_map<(d0, d1) -> (0, 0)>
#map1 = affine_map<(d0, d1) -> (0)>
#map2 = affine_map<(d0, d1) -> (0, 0, 0)>
module attributes {stable_mosaic.version = 14 : i64} {
  func.func @_edge_body(%arg0: i32, %arg1: i32, %arg2: memref<20008x128xf32, #tpu.memory_space<hbm>>, %arg3: memref<655360xi32, #tpu.memory_space<hbm>>, %arg4: memref<655360xi32, #tpu.memory_space<hbm>>, %arg5: memref<624x128xf32, #tpu.memory_space<hbm>>, %arg6: memref<2x10000x128xf32, #tpu.memory_space<hbm>>, %arg7: memref<10000x128xf32, #tpu.memory_space<vmem_shared>>, %arg8: memref<128xi32, #tpu.memory_space<vmem>>, %arg9: memref<128xi32, #tpu.memory_space<vmem>>, %arg10: memref<128xi32, #tpu.memory_space<vmem>>, %arg11: memref<128x128xf32, #tpu.memory_space<vmem>>, %arg12: memref<128x128xf32, #tpu.memory_space<vmem>>, %arg13: memref<!tpu.dma_semaphore, #tpu.memory_space<semaphore_mem>>, %arg14: memref<!tpu.dma_semaphore, #tpu.memory_space<semaphore_mem>>) attributes {dimension_semantics = [#tpu.dimension_semantics<core_parallel>, #tpu.dimension_semantics<subcore_parallel>], iteration_bounds = array<i64: 2, 16>, scalar_prefetch = 0 : i64, scratch_operands = 8 : i64, tpu.core_type = #tpu.core_type<sc_vector_subcore>, window_params = [{transform_indices = #map}, {transform_indices = #map1}, {transform_indices = #map1}, {transform_indices = #map}, {transform_indices = #map2}]} {
    %mul3A = arith.constant 16 : i32
    %mul3A_0 = arith.muli %arg0, %mul3A : i32
    %add3A = arith.addi %mul3A_0, %arg1 : i32
    %mul3A_1 = arith.constant 20480 : i32
    %mul3A_2 = arith.muli %add3A, %mul3A_1 : i32
    %mul3A_3 = arith.constant 624 : i32
    %mul3A_4 = arith.muli %arg1, %mul3A_3 : i32
    "tpu.region"() ({
      %run_scoped3A = tpu.sem_alloc : memref<!tpu.dma_semaphore, #tpu.memory_space<semaphore_mem>>
      %dma_start3A = arith.constant 0 : i32
      %dma_start3A_22 = tpu.memref_slice %arg7[%mul3A_4, %dma_start3A] : memref<10000x128xf32, #tpu.memory_space<vmem_shared>> -> memref<624x128xf32, #tpu.memory_space<vmem_shared>>
      %dma_start3A_23 = arith.constant 0 : i32
      %dma_start3A_24 = arith.constant 0 : i32
      %dma_start3A_25 = tpu.memref_slice %arg5[%dma_start3A_23, %dma_start3A_24] : memref<624x128xf32, #tpu.memory_space<hbm>> -> memref<624x128xf32, #tpu.memory_space<hbm>>
      tpu.enqueue_dma source(%dma_start3A_25 : memref<624x128xf32, #tpu.memory_space<hbm>>) target(%dma_start3A_22 : memref<624x128xf32, #tpu.memory_space<vmem_shared>>) target_semaphore(%run_scoped3A : memref<!tpu.dma_semaphore, #tpu.memory_space<semaphore_mem>>)
      %dma_wait3A = arith.constant 0 : i32
      %dma_wait3A_26 = tpu.memref_slice %arg7[%mul3A_4, %dma_wait3A] : memref<10000x128xf32, #tpu.memory_space<vmem_shared>> -> memref<624x128xf32, #tpu.memory_space<vmem_shared>>
      %dma_wait3A_27 = arith.constant 0 : i32
      %dma_wait3A_28 = arith.constant 0 : i32
      %dma_wait3A_29 = tpu.memref_slice %arg5[%dma_wait3A_27, %dma_wait3A_28] : memref<624x128xf32, #tpu.memory_space<hbm>> -> memref<624x128xf32, #tpu.memory_space<hbm>>
      tpu.wait_dma2 semaphore(%run_scoped3A : memref<!tpu.dma_semaphore, #tpu.memory_space<semaphore_mem>>) src(%dma_wait3A_29 : memref<624x128xf32, #tpu.memory_space<hbm>>) dst(%dma_wait3A_26 : memref<624x128xf32, #tpu.memory_space<vmem_shared>>)
      tpu.yield
    }) : () -> ()
    %eq3A = arith.constant 0 : i32
    %eq3A_5 = arith.cmpi eq, %arg1, %eq3A : i32
    %convert_element_type3A = arith.extui %eq3A_5 : i1 to i32
    %cond3A = arith.constant 0 : i32
    %cond3A_6 = arith.cmpi ne, %convert_element_type3A, %cond3A : i32
    scf.if %cond3A_6 {
      "tpu.region"() ({
        %run_scoped3A = tpu.sem_alloc : memref<!tpu.dma_semaphore, #tpu.memory_space<semaphore_mem>>
        %dma_start3A = arith.constant 9984 : i32
        %dma_start3A_22 = arith.constant 0 : i32
        %dma_start3A_23 = tpu.memref_slice %arg7[%dma_start3A, %dma_start3A_22] : memref<10000x128xf32, #tpu.memory_space<vmem_shared>> -> memref<16x128xf32, #tpu.memory_space<vmem_shared>>
        %dma_start3A_24 = arith.constant 0 : i32
        %dma_start3A_25 = arith.constant 0 : i32
        %dma_start3A_26 = tpu.memref_slice %arg5[%dma_start3A_24, %dma_start3A_25] : memref<624x128xf32, #tpu.memory_space<hbm>> -> memref<16x128xf32, #tpu.memory_space<hbm>>
        tpu.enqueue_dma source(%dma_start3A_26 : memref<16x128xf32, #tpu.memory_space<hbm>>) target(%dma_start3A_23 : memref<16x128xf32, #tpu.memory_space<vmem_shared>>) target_semaphore(%run_scoped3A : memref<!tpu.dma_semaphore, #tpu.memory_space<semaphore_mem>>)
        %dma_wait3A = arith.constant 9984 : i32
        %dma_wait3A_27 = arith.constant 0 : i32
        %dma_wait3A_28 = tpu.memref_slice %arg7[%dma_wait3A, %dma_wait3A_27] : memref<10000x128xf32, #tpu.memory_space<vmem_shared>> -> memref<16x128xf32, #tpu.memory_space<vmem_shared>>
        %dma_wait3A_29 = arith.constant 0 : i32
        %dma_wait3A_30 = arith.constant 0 : i32
        %dma_wait3A_31 = tpu.memref_slice %arg5[%dma_wait3A_29, %dma_wait3A_30] : memref<624x128xf32, #tpu.memory_space<hbm>> -> memref<16x128xf32, #tpu.memory_space<hbm>>
        tpu.wait_dma2 semaphore(%run_scoped3A : memref<!tpu.dma_semaphore, #tpu.memory_space<semaphore_mem>>) src(%dma_wait3A_31 : memref<16x128xf32, #tpu.memory_space<hbm>>) dst(%dma_wait3A_28 : memref<16x128xf32, #tpu.memory_space<vmem_shared>>)
        tpu.yield
      }) : () -> ()
    } else {
    }
    %barrier3A = arith.constant 0 : index
    tpu.barrier barrier_id(%barrier3A)
    %scan3A = arith.constant 0 : i32
    %scan3A_7 = arith.constant 0 : i32
    %scan3A_8 = arith.constant 80 : i32
    %scan3A_9 = arith.addi %scan3A_7, %scan3A_8 : i32
    %scan3A_10 = arith.constant 1 : i32
    scf.for %scan3A_22 = %scan3A_7 to %scan3A_9 step %scan3A_10  : i32 {
      %mul3A_23 = arith.constant 2 : i32
      %mul3A_24 = arith.muli %mul3A_23, %scan3A_22 : i32
      %mul3A_25 = arith.constant 128 : i32
      %mul3A_26 = arith.muli %mul3A_24, %mul3A_25 : i32
      %add3A_27 = arith.addi %mul3A_2, %mul3A_26 : i32
      "tpu.region"() ({
        %run_scoped3A = tpu.sem_alloc : memref<!tpu.dma_semaphore, #tpu.memory_space<semaphore_mem>>
        %dma_start3A_42 = tpu.memref_slice %arg3[%add3A_27] : memref<655360xi32, #tpu.memory_space<hbm>> -> memref<128xi32, #tpu.memory_space<hbm>>
        %dma_start3A_43 = tpu.memref_slice %arg3[%add3A_27] : memref<655360xi32, #tpu.memory_space<hbm>> -> memref<128xi32, #tpu.memory_space<hbm>>
        tpu.enqueue_dma source(%dma_start3A_43 : memref<128xi32, #tpu.memory_space<hbm>>) target(%arg8 : memref<128xi32, #tpu.memory_space<vmem>>) target_semaphore(%run_scoped3A : memref<!tpu.dma_semaphore, #tpu.memory_space<semaphore_mem>>)
        %dma_wait3A_44 = tpu.memref_slice %arg3[%add3A_27] : memref<655360xi32, #tpu.memory_space<hbm>> -> memref<128xi32, #tpu.memory_space<hbm>>
        %dma_wait3A_45 = tpu.memref_slice %arg3[%add3A_27] : memref<655360xi32, #tpu.memory_space<hbm>> -> memref<128xi32, #tpu.memory_space<hbm>>
        tpu.wait_dma2 semaphore(%run_scoped3A : memref<!tpu.dma_semaphore, #tpu.memory_space<semaphore_mem>>) src(%dma_wait3A_45 : memref<128xi32, #tpu.memory_space<hbm>>) dst(%arg8 : memref<128xi32, #tpu.memory_space<vmem>>)
        tpu.yield
      }) : () -> ()
      %dma_start3A = arith.constant 0 : i32
      %dma_start3A_28 = arith.constant 0 : i32
      %dma_start3A_29 = tpu.memref_slice %arg2[%dma_start3A, %dma_start3A_28] : memref<20008x128xf32, #tpu.memory_space<hbm>> -> memref<20008x128xf32, #tpu.memory_space<hbm>>
      tpu.enqueue_indirect_dma source(%dma_start3A_29 : memref<20008x128xf32, #tpu.memory_space<hbm>>) target(%arg11 : memref<128x128xf32, #tpu.memory_space<vmem>>) offsets(%arg8 : memref<128xi32, #tpu.memory_space<vmem>>) semaphore(%arg14 : memref<!tpu.dma_semaphore, #tpu.memory_space<semaphore_mem>>)
      %add3A_30 = arith.constant 128 : i32
      %add3A_31 = arith.addi %add3A_27, %add3A_30 : i32
      "tpu.region"() ({
        %run_scoped3A = tpu.sem_alloc : memref<!tpu.dma_semaphore, #tpu.memory_space<semaphore_mem>>
        %dma_start3A_42 = tpu.memref_slice %arg3[%add3A_31] : memref<655360xi32, #tpu.memory_space<hbm>> -> memref<128xi32, #tpu.memory_space<hbm>>
        %dma_start3A_43 = tpu.memref_slice %arg3[%add3A_31] : memref<655360xi32, #tpu.memory_space<hbm>> -> memref<128xi32, #tpu.memory_space<hbm>>
        tpu.enqueue_dma source(%dma_start3A_43 : memref<128xi32, #tpu.memory_space<hbm>>) target(%arg9 : memref<128xi32, #tpu.memory_space<vmem>>) target_semaphore(%run_scoped3A : memref<!tpu.dma_semaphore, #tpu.memory_space<semaphore_mem>>)
        %dma_wait3A_44 = tpu.memref_slice %arg3[%add3A_31] : memref<655360xi32, #tpu.memory_space<hbm>> -> memref<128xi32, #tpu.memory_space<hbm>>
        %dma_wait3A_45 = tpu.memref_slice %arg3[%add3A_31] : memref<655360xi32, #tpu.memory_space<hbm>> -> memref<128xi32, #tpu.memory_space<hbm>>
        tpu.wait_dma2 semaphore(%run_scoped3A : memref<!tpu.dma_semaphore, #tpu.memory_space<semaphore_mem>>) src(%dma_wait3A_45 : memref<128xi32, #tpu.memory_space<hbm>>) dst(%arg9 : memref<128xi32, #tpu.memory_space<vmem>>)
        tpu.yield
      }) : () -> ()
      %dma_start3A_32 = arith.constant 0 : i32
      %dma_start3A_33 = arith.constant 0 : i32
      %dma_start3A_34 = tpu.memref_slice %arg2[%dma_start3A_32, %dma_start3A_33] : memref<20008x128xf32, #tpu.memory_space<hbm>> -> memref<20008x128xf32, #tpu.memory_space<hbm>>
      tpu.enqueue_indirect_dma source(%dma_start3A_34 : memref<20008x128xf32, #tpu.memory_space<hbm>>) target(%arg12 : memref<128x128xf32, #tpu.memory_space<vmem>>) offsets(%arg9 : memref<128xi32, #tpu.memory_space<vmem>>) semaphore(%arg13 : memref<!tpu.dma_semaphore, #tpu.memory_space<semaphore_mem>>)
      "tpu.region"() ({
        %run_scoped3A = tpu.sem_alloc : memref<!tpu.dma_semaphore, #tpu.memory_space<semaphore_mem>>
        %dma_start3A_42 = tpu.memref_slice %arg4[%add3A_27] : memref<655360xi32, #tpu.memory_space<hbm>> -> memref<128xi32, #tpu.memory_space<hbm>>
        %dma_start3A_43 = tpu.memref_slice %arg4[%add3A_27] : memref<655360xi32, #tpu.memory_space<hbm>> -> memref<128xi32, #tpu.memory_space<hbm>>
        tpu.enqueue_dma source(%dma_start3A_43 : memref<128xi32, #tpu.memory_space<hbm>>) target(%arg10 : memref<128xi32, #tpu.memory_space<vmem>>) target_semaphore(%run_scoped3A : memref<!tpu.dma_semaphore, #tpu.memory_space<semaphore_mem>>)
        %dma_wait3A_44 = tpu.memref_slice %arg4[%add3A_27] : memref<655360xi32, #tpu.memory_space<hbm>> -> memref<128xi32, #tpu.memory_space<hbm>>
        %dma_wait3A_45 = tpu.memref_slice %arg4[%add3A_27] : memref<655360xi32, #tpu.memory_space<hbm>> -> memref<128xi32, #tpu.memory_space<hbm>>
        tpu.wait_dma2 semaphore(%run_scoped3A : memref<!tpu.dma_semaphore, #tpu.memory_space<semaphore_mem>>) src(%dma_wait3A_45 : memref<128xi32, #tpu.memory_space<hbm>>) dst(%arg10 : memref<128xi32, #tpu.memory_space<vmem>>)
        tpu.yield
      }) : () -> ()
      %dma_wait3A = arith.constant 0 : i32
      %dma_wait3A_35 = arith.constant 0 : i32
      %dma_wait3A_36 = tpu.memref_slice %arg2[%dma_wait3A, %dma_wait3A_35] : memref<20008x128xf32, #tpu.memory_space<hbm>> -> memref<20008x128xf32, #tpu.memory_space<hbm>>
      tpu.wait_indirect_dma semaphore(%arg14 : memref<!tpu.dma_semaphore, #tpu.memory_space<semaphore_mem>>) src(%dma_wait3A_36 : memref<20008x128xf32, #tpu.memory_space<hbm>>) dst(%arg11 : memref<128x128xf32, #tpu.memory_space<vmem>>)
      "tpu.region"() ({
        %run_scoped3A = tpu.sem_alloc : memref<!tpu.dma_semaphore, #tpu.memory_space<semaphore_mem>>
        %dma_start3A_42 = arith.constant 0 : i32
        %dma_start3A_43 = arith.constant 0 : i32
        %dma_start3A_44 = tpu.memref_slice %arg7[%dma_start3A_42, %dma_start3A_43] : memref<10000x128xf32, #tpu.memory_space<vmem_shared>> -> memref<10000x128xf32, #tpu.memory_space<vmem_shared>>
        tpu.enqueue_indirect_dma source(%arg11 : memref<128x128xf32, #tpu.memory_space<vmem>>) target(%dma_start3A_44 : memref<10000x128xf32, #tpu.memory_space<vmem_shared>>) offsets(%arg10 : memref<128xi32, #tpu.memory_space<vmem>>) semaphore(%run_scoped3A : memref<!tpu.dma_semaphore, #tpu.memory_space<semaphore_mem>>) {add = true}
        %dma_wait3A_45 = arith.constant 0 : i32
        %dma_wait3A_46 = arith.constant 0 : i32
        %dma_wait3A_47 = tpu.memref_slice %arg7[%dma_wait3A_45, %dma_wait3A_46] : memref<10000x128xf32, #tpu.memory_space<vmem_shared>> -> memref<10000x128xf32, #tpu.memory_space<vmem_shared>>
        tpu.wait_indirect_dma semaphore(%run_scoped3A : memref<!tpu.dma_semaphore, #tpu.memory_space<semaphore_mem>>) src(%arg11 : memref<128x128xf32, #tpu.memory_space<vmem>>) dst(%dma_wait3A_47 : memref<10000x128xf32, #tpu.memory_space<vmem_shared>>)
        tpu.yield
      }) : () -> ()
      %add3A_37 = arith.constant 128 : i32
      %add3A_38 = arith.addi %add3A_27, %add3A_37 : i32
      "tpu.region"() ({
        %run_scoped3A = tpu.sem_alloc : memref<!tpu.dma_semaphore, #tpu.memory_space<semaphore_mem>>
        %dma_start3A_42 = tpu.memref_slice %arg4[%add3A_38] : memref<655360xi32, #tpu.memory_space<hbm>> -> memref<128xi32, #tpu.memory_space<hbm>>
        %dma_start3A_43 = tpu.memref_slice %arg4[%add3A_38] : memref<655360xi32, #tpu.memory_space<hbm>> -> memref<128xi32, #tpu.memory_space<hbm>>
        tpu.enqueue_dma source(%dma_start3A_43 : memref<128xi32, #tpu.memory_space<hbm>>) target(%arg10 : memref<128xi32, #tpu.memory_space<vmem>>) target_semaphore(%run_scoped3A : memref<!tpu.dma_semaphore, #tpu.memory_space<semaphore_mem>>)
        %dma_wait3A_44 = tpu.memref_slice %arg4[%add3A_38] : memref<655360xi32, #tpu.memory_space<hbm>> -> memref<128xi32, #tpu.memory_space<hbm>>
        %dma_wait3A_45 = tpu.memref_slice %arg4[%add3A_38] : memref<655360xi32, #tpu.memory_space<hbm>> -> memref<128xi32, #tpu.memory_space<hbm>>
        tpu.wait_dma2 semaphore(%run_scoped3A : memref<!tpu.dma_semaphore, #tpu.memory_space<semaphore_mem>>) src(%dma_wait3A_45 : memref<128xi32, #tpu.memory_space<hbm>>) dst(%arg10 : memref<128xi32, #tpu.memory_space<vmem>>)
        tpu.yield
      }) : () -> ()
      %dma_wait3A_39 = arith.constant 0 : i32
      %dma_wait3A_40 = arith.constant 0 : i32
      %dma_wait3A_41 = tpu.memref_slice %arg2[%dma_wait3A_39, %dma_wait3A_40] : memref<20008x128xf32, #tpu.memory_space<hbm>> -> memref<20008x128xf32, #tpu.memory_space<hbm>>
      tpu.wait_indirect_dma semaphore(%arg13 : memref<!tpu.dma_semaphore, #tpu.memory_space<semaphore_mem>>) src(%dma_wait3A_41 : memref<20008x128xf32, #tpu.memory_space<hbm>>) dst(%arg12 : memref<128x128xf32, #tpu.memory_space<vmem>>)
      "tpu.region"() ({
        %run_scoped3A = tpu.sem_alloc : memref<!tpu.dma_semaphore, #tpu.memory_space<semaphore_mem>>
        %dma_start3A_42 = arith.constant 0 : i32
        %dma_start3A_43 = arith.constant 0 : i32
        %dma_start3A_44 = tpu.memref_slice %arg7[%dma_start3A_42, %dma_start3A_43] : memref<10000x128xf32, #tpu.memory_space<vmem_shared>> -> memref<10000x128xf32, #tpu.memory_space<vmem_shared>>
        tpu.enqueue_indirect_dma source(%arg12 : memref<128x128xf32, #tpu.memory_space<vmem>>) target(%dma_start3A_44 : memref<10000x128xf32, #tpu.memory_space<vmem_shared>>) offsets(%arg10 : memref<128xi32, #tpu.memory_space<vmem>>) semaphore(%run_scoped3A : memref<!tpu.dma_semaphore, #tpu.memory_space<semaphore_mem>>) {add = true}
        %dma_wait3A_45 = arith.constant 0 : i32
        %dma_wait3A_46 = arith.constant 0 : i32
        %dma_wait3A_47 = tpu.memref_slice %arg7[%dma_wait3A_45, %dma_wait3A_46] : memref<10000x128xf32, #tpu.memory_space<vmem_shared>> -> memref<10000x128xf32, #tpu.memory_space<vmem_shared>>
        tpu.wait_indirect_dma semaphore(%run_scoped3A : memref<!tpu.dma_semaphore, #tpu.memory_space<semaphore_mem>>) src(%arg12 : memref<128x128xf32, #tpu.memory_space<vmem>>) dst(%dma_wait3A_47 : memref<10000x128xf32, #tpu.memory_space<vmem_shared>>)
        tpu.yield
      }) : () -> ()
    }
    %scan3A_11 = arith.constant 80 : i32
    %barrier3A_12 = arith.constant 0 : index
    tpu.barrier barrier_id(%barrier3A_12)
    %mul3A_13 = arith.constant 624 : i32
    %mul3A_14 = arith.muli %arg1, %mul3A_13 : i32
    %mul3A_15 = arith.constant 624 : i32
    %mul3A_16 = arith.muli %arg1, %mul3A_15 : i32
    "tpu.region"() ({
      %run_scoped3A = tpu.sem_alloc : memref<!tpu.dma_semaphore, #tpu.memory_space<semaphore_mem>>
      %dma_start3A = arith.constant 0 : i32
      %dma_start3A_22 = tpu.memref_slice %arg6[%arg0, %mul3A_16, %dma_start3A] : memref<2x10000x128xf32, #tpu.memory_space<hbm>> -> memref<1x624x128xf32, #tpu.memory_space<hbm>>
      %dma_start3A_23 = tpu.memref_squeeze %dma_start3A_22 : memref<1x624x128xf32, #tpu.memory_space<hbm>> -> memref<624x128xf32, #tpu.memory_space<hbm>>
      %dma_start3A_24 = arith.constant 0 : i32
      %dma_start3A_25 = tpu.memref_slice %arg7[%mul3A_14, %dma_start3A_24] : memref<10000x128xf32, #tpu.memory_space<vmem_shared>> -> memref<624x128xf32, #tpu.memory_space<vmem_shared>>
      tpu.enqueue_dma source(%dma_start3A_25 : memref<624x128xf32, #tpu.memory_space<vmem_shared>>) target(%dma_start3A_23 : memref<624x128xf32, #tpu.memory_space<hbm>>) target_semaphore(%run_scoped3A : memref<!tpu.dma_semaphore, #tpu.memory_space<semaphore_mem>>)
      %dma_wait3A = arith.constant 0 : i32
      %dma_wait3A_26 = tpu.memref_slice %arg6[%arg0, %mul3A_16, %dma_wait3A] : memref<2x10000x128xf32, #tpu.memory_space<hbm>> -> memref<1x624x128xf32, #tpu.memory_space<hbm>>
      %dma_wait3A_27 = tpu.memref_squeeze %dma_wait3A_26 : memref<1x624x128xf32, #tpu.memory_space<hbm>> -> memref<624x128xf32, #tpu.memory_space<hbm>>
      %dma_wait3A_28 = arith.constant 0 : i32
      %dma_wait3A_29 = tpu.memref_slice %arg7[%mul3A_14, %dma_wait3A_28] : memref<10000x128xf32, #tpu.memory_space<vmem_shared>> -> memref<624x128xf32, #tpu.memory_space<vmem_shared>>
      tpu.wait_dma2 semaphore(%run_scoped3A : memref<!tpu.dma_semaphore, #tpu.memory_space<semaphore_mem>>) src(%dma_wait3A_29 : memref<624x128xf32, #tpu.memory_space<vmem_shared>>) dst(%dma_wait3A_27 : memref<624x128xf32, #tpu.memory_space<hbm>>)
      tpu.yield
    }) : () -> ()
    %eq3A_17 = arith.constant 0 : i32
    %eq3A_18 = arith.cmpi eq, %arg1, %eq3A_17 : i32
    %convert_element_type3A_19 = arith.extui %eq3A_18 : i1 to i32
    %cond3A_20 = arith.constant 0 : i32
    %cond3A_21 = arith.cmpi ne, %convert_element_type3A_19, %cond3A_20 : i32
    scf.if %cond3A_21 {
      "tpu.region"() ({
        %run_scoped3A = tpu.sem_alloc : memref<!tpu.dma_semaphore, #tpu.memory_space<semaphore_mem>>
        %dma_start3A = arith.constant 9984 : i32
        %dma_start3A_22 = arith.constant 0 : i32
        %dma_start3A_23 = tpu.memref_slice %arg6[%arg0, %dma_start3A, %dma_start3A_22] : memref<2x10000x128xf32, #tpu.memory_space<hbm>> -> memref<1x16x128xf32, #tpu.memory_space<hbm>>
        %dma_start3A_24 = tpu.memref_squeeze %dma_start3A_23 : memref<1x16x128xf32, #tpu.memory_space<hbm>> -> memref<16x128xf32, #tpu.memory_space<hbm>>
        %dma_start3A_25 = arith.constant 9984 : i32
        %dma_start3A_26 = arith.constant 0 : i32
        %dma_start3A_27 = tpu.memref_slice %arg7[%dma_start3A_25, %dma_start3A_26] : memref<10000x128xf32, #tpu.memory_space<vmem_shared>> -> memref<16x128xf32, #tpu.memory_space<vmem_shared>>
        tpu.enqueue_dma source(%dma_start3A_27 : memref<16x128xf32, #tpu.memory_space<vmem_shared>>) target(%dma_start3A_24 : memref<16x128xf32, #tpu.memory_space<hbm>>) target_semaphore(%run_scoped3A : memref<!tpu.dma_semaphore, #tpu.memory_space<semaphore_mem>>)
        %dma_wait3A = arith.constant 9984 : i32
        %dma_wait3A_28 = arith.constant 0 : i32
        %dma_wait3A_29 = tpu.memref_slice %arg6[%arg0, %dma_wait3A, %dma_wait3A_28] : memref<2x10000x128xf32, #tpu.memory_space<hbm>> -> memref<1x16x128xf32, #tpu.memory_space<hbm>>
        %dma_wait3A_30 = tpu.memref_squeeze %dma_wait3A_29 : memref<1x16x128xf32, #tpu.memory_space<hbm>> -> memref<16x128xf32, #tpu.memory_space<hbm>>
        %dma_wait3A_31 = arith.constant 9984 : i32
        %dma_wait3A_32 = arith.constant 0 : i32
        %dma_wait3A_33 = tpu.memref_slice %arg7[%dma_wait3A_31, %dma_wait3A_32] : memref<10000x128xf32, #tpu.memory_space<vmem_shared>> -> memref<16x128xf32, #tpu.memory_space<vmem_shared>>
        tpu.wait_dma2 semaphore(%run_scoped3A : memref<!tpu.dma_semaphore, #tpu.memory_space<semaphore_mem>>) src(%dma_wait3A_33 : memref<16x128xf32, #tpu.memory_space<vmem_shared>>) dst(%dma_wait3A_30 : memref<16x128xf32, #tpu.memory_space<hbm>>)
        tpu.yield
      }) : () -> ()
    } else {
    }
    return
  }
}

module attributes {stable_mosaic.version = 14 : i64} {
  func.func @_scale_body(%arg0: i32, %arg1: memref<2000x128xf32, #tpu.memory_space<vmem>>, %arg2: memref<2000x32xf32, #tpu.memory_space<vmem>>, %arg3: memref<2000x128xf32, #tpu.memory_space<vmem>>, %arg4: memref<2000x8xf32, #tpu.memory_space<vmem>>) attributes {dimension_semantics = [#tpu.dimension_semantics<arbitrary>], iteration_bounds = array<i64: 10>, scalar_prefetch = 0 : i64, scratch_operands = 0 : i64, tpu.core_type = #tpu.core_type<tc>, window_params = [{transform_indices = @transform_0, window_bounds = array<i64: 2000, 128>}, {transform_indices = @transform_1, window_bounds = array<i64: 2000, 32>}, {transform_indices = @transform_2, window_bounds = array<i64: 2000, 128>}, {transform_indices = @transform_3, window_bounds = array<i64: 2000, 8>}]} {
    %get3A = arith.constant 0 : index
    %get3A_0 = arith.constant 0 : index
    %get3A_1 = vector.load %arg2[%get3A, %get3A_0] : memref<2000x32xf32, #tpu.memory_space<vmem>>, vector<2000x32xf32>
    %iota3A = tpu.iota {dimensions = array<i32: 0>} : vector<32x8xi32>
    %iota3A_2 = tpu.iota {dimensions = array<i32: 1>} : vector<32x8xi32>
    %jit3A = arith.constant 4 : i32
    %div3A = vector.broadcast %jit3A : i32 to vector<32x8xi32>
    %div3A_3 = arith.divsi %iota3A, %div3A : vector<32x8xi32>
    %sign3A = arith.constant 0 : i32
    %sign3A_4 = vector.broadcast %sign3A : i32 to vector<32x8xi32>
    %sign3A_5 = arith.cmpi sgt, %iota3A, %sign3A_4 : vector<32x8xi32>
    %sign3A_6 = arith.extui %sign3A_5 : vector<32x8xi1> to vector<32x8xi32>
    %sign3A_7 = arith.constant 0 : i32
    %sign3A_8 = vector.broadcast %sign3A_7 : i32 to vector<32x8xi32>
    %sign3A_9 = arith.cmpi slt, %iota3A, %sign3A_8 : vector<32x8xi32>
    %sign3A_10 = arith.extui %sign3A_9 : vector<32x8xi1> to vector<32x8xi32>
    %sign3A_11 = arith.subi %sign3A_6, %sign3A_10 : vector<32x8xi32>
    %sign3A_12 = arith.constant 0 : i32
    %sign3A_13 = arith.cmpi sgt, %jit3A, %sign3A_12 : i32
    %sign3A_14 = arith.extui %sign3A_13 : i1 to i32
    %sign3A_15 = arith.constant 0 : i32
    %sign3A_16 = arith.cmpi slt, %jit3A, %sign3A_15 : i32
    %sign3A_17 = arith.extui %sign3A_16 : i1 to i32
    %sign3A_18 = arith.subi %sign3A_14, %sign3A_17 : i32
    %ne3A = vector.broadcast %sign3A_18 : i32 to vector<32x8xi32>
    %ne3A_19 = arith.cmpi ne, %sign3A_11, %ne3A : vector<32x8xi32>
    %rem3A = vector.broadcast %jit3A : i32 to vector<32x8xi32>
    %rem3A_20 = arith.remsi %iota3A, %rem3A : vector<32x8xi32>
    %ne3A_21 = arith.constant 0 : i32
    %ne3A_22 = vector.broadcast %ne3A_21 : i32 to vector<32x8xi32>
    %ne3A_23 = arith.cmpi ne, %rem3A_20, %ne3A_22 : vector<32x8xi32>
    %and3A = arith.andi %ne3A_19, %ne3A_23 : vector<32x8xi1>
    %sub3A = arith.constant 1 : i32
    %sub3A_24 = vector.broadcast %sub3A : i32 to vector<32x8xi32>
    %sub3A_25 = arith.subi %div3A_3, %sub3A_24 : vector<32x8xi32>
    %select_n3A = arith.select %and3A, %sub3A_25, %div3A_3 : vector<32x8xi1>, vector<32x8xi32>
    %eq3A = arith.cmpi eq, %select_n3A, %iota3A_2 : vector<32x8xi32>
    %convert_element_type3A = arith.extui %eq3A : vector<32x8xi1> to vector<32x8xi32>
    %convert_element_type3A_26 = arith.sitofp %convert_element_type3A : vector<32x8xi32> to vector<32x8xf32>
    %dot_general3A = arith.constant dense<0.000000e+00> : vector<2000x8xf32>
    %dot_general3A_27 = tpu.matmul %get3A_1, %convert_element_type3A_26, %dot_general3A {dimension_numbers = #tpu.dot_dimension_numbers<[1], [0], [0], [1], [0, 0, 1, 1], [], []>, transpose_lhs_hint = false} : vector<2000x32xf32>, vector<32x8xf32>, vector<2000x8xf32> -> vector<2000x8xf32>
    %max3A = arith.constant 1.000000e+00 : f32
    %max3A_28 = vector.broadcast %max3A : f32 to vector<2000x8xf32>
    %max3A_29 = arith.maximumf %dot_general3A_27, %max3A_28 : vector<2000x8xf32>
    %rsqrt3A = math.rsqrt %max3A_29 : vector<2000x8xf32>
    %swap3A = arith.constant 0 : index
    %swap3A_30 = arith.constant 0 : index
    %swap3A_31 = vector.load %arg4[%swap3A, %swap3A_30] : memref<2000x8xf32, #tpu.memory_space<vmem>>, vector<2000x8xf32>
    tpu.vector_store %arg4[%swap3A, %swap3A_30], %rsqrt3A {strides = array<i32>} : memref<2000x8xf32, #tpu.memory_space<vmem>>, vector<2000x8xf32>,
    %lt3A = arith.constant 5 : i32
    %lt3A_32 = arith.cmpi slt, %arg0, %lt3A : i32
    %slice3A = vector.extract_strided_slice %rsqrt3A {offsets = [0, 0], sizes = [2000, 1], strides = [1, 1]} : vector<2000x8xf32> to vector<2000x1xf32>
    %slice3A_33 = vector.extract_strided_slice %rsqrt3A {offsets = [0, 2], sizes = [2000, 1], strides = [1, 1]} : vector<2000x8xf32> to vector<2000x1xf32>
    %select_n3A_34 = arith.select %lt3A_32, %slice3A, %slice3A_33 : vector<2000x1xf32>
    %get3A_35 = arith.constant 0 : index
    %get3A_36 = arith.constant 0 : index
    %get3A_37 = vector.load %arg1[%get3A_35, %get3A_36] : memref<2000x128xf32, #tpu.memory_space<vmem>>, vector<2000x128xf32>
    %mul3A = vector.broadcast %select_n3A_34 : vector<2000x1xf32> to vector<2000x128xf32>
    %mul3A_38 = arith.mulf %get3A_37, %mul3A : vector<2000x128xf32>
    %swap3A_39 = arith.constant 0 : index
    %swap3A_40 = arith.constant 0 : index
    %swap3A_41 = vector.load %arg3[%swap3A_39, %swap3A_40] : memref<2000x128xf32, #tpu.memory_space<vmem>>, vector<2000x128xf32>
    tpu.vector_store %arg3[%swap3A_39, %swap3A_40], %mul3A_38 {strides = array<i32>} : memref<2000x128xf32, #tpu.memory_space<vmem>>, vector<2000x128xf32>,
    return
  }
  func.func @transform_0(%arg0: i32) -> (i32, i32) {
    %jit3A = arith.constant 5 : i32
    %eq3A = arith.constant 0 : i32
    %eq3A_0 = arith.cmpi eq, %jit3A, %eq3A : i32
    %jit3A_1 = arith.constant 1 : i32
    %select_n3A = arith.select %eq3A_0, %jit3A_1, %jit3A : i32
    %rem3A = arith.remsi %arg0, %select_n3A : i32
    %ne3A = arith.constant 0 : i32
    %ne3A_2 = arith.cmpi ne, %rem3A, %ne3A : i32
    %lt3A = arith.constant 0 : i32
    %lt3A_3 = arith.cmpi slt, %rem3A, %lt3A : i32
    %lt3A_4 = arith.constant 0 : i32
    %lt3A_5 = arith.cmpi slt, %select_n3A, %lt3A_4 : i32
    %ne3A_6 = arith.xori %lt3A_3, %lt3A_5 : i1
    %and3A = arith.andi %ne3A_6, %ne3A_2 : i1
    %add3A = arith.addi %rem3A, %select_n3A : i32
    %select_n3A_7 = arith.select %and3A, %add3A, %rem3A : i32
    %c0_i32 = arith.constant 0 : i32
    %c0_i32_8 = arith.constant 0 : i32
    return %select_n3A_7, %c0_i32 : i32, i32
  }
  func.func @transform_1(%arg0: i32) -> (i32, i32) {
    %jit3A = arith.constant 5 : i32
    %eq3A = arith.constant 0 : i32
    %eq3A_0 = arith.cmpi eq, %jit3A, %eq3A : i32
    %jit3A_1 = arith.constant 1 : i32
    %select_n3A = arith.select %eq3A_0, %jit3A_1, %jit3A : i32
    %rem3A = arith.remsi %arg0, %select_n3A : i32
    %ne3A = arith.constant 0 : i32
    %ne3A_2 = arith.cmpi ne, %rem3A, %ne3A : i32
    %lt3A = arith.constant 0 : i32
    %lt3A_3 = arith.cmpi slt, %rem3A, %lt3A : i32
    %lt3A_4 = arith.constant 0 : i32
    %lt3A_5 = arith.cmpi slt, %select_n3A, %lt3A_4 : i32
    %ne3A_6 = arith.xori %lt3A_3, %lt3A_5 : i1
    %and3A = arith.andi %ne3A_6, %ne3A_2 : i1
    %add3A = arith.addi %rem3A, %select_n3A : i32
    %select_n3A_7 = arith.select %and3A, %add3A, %rem3A : i32
    %c0_i32 = arith.constant 0 : i32
    %c0_i32_8 = arith.constant 0 : i32
    return %select_n3A_7, %c0_i32 : i32, i32
  }
  func.func @transform_2(%arg0: i32) -> (i32, i32) {
    %c0_i32 = arith.constant 0 : i32
    %c0_i32_0 = arith.constant 0 : i32
    return %arg0, %c0_i32 : i32, i32
  }
  func.func @transform_3(%arg0: i32) -> (i32, i32) {
    %jit3A = arith.constant 5 : i32
    %eq3A = arith.constant 0 : i32
    %eq3A_0 = arith.cmpi eq, %jit3A, %eq3A : i32
    %jit3A_1 = arith.constant 1 : i32
    %select_n3A = arith.select %eq3A_0, %jit3A_1, %jit3A : i32
    %rem3A = arith.remsi %arg0, %select_n3A : i32
    %ne3A = arith.constant 0 : i32
    %ne3A_2 = arith.cmpi ne, %rem3A, %ne3A : i32
    %lt3A = arith.constant 0 : i32
    %lt3A_3 = arith.cmpi slt, %rem3A, %lt3A : i32
    %lt3A_4 = arith.constant 0 : i32
    %lt3A_5 = arith.cmpi slt, %select_n3A, %lt3A_4 : i32
    %ne3A_6 = arith.xori %lt3A_3, %lt3A_5 : i1
    %and3A = arith.andi %ne3A_6, %ne3A_2 : i1
    %add3A = arith.addi %rem3A, %select_n3A : i32
    %select_n3A_7 = arith.select %and3A, %add3A, %rem3A : i32
    %c0_i32 = arith.constant 0 : i32
    %c0_i32_8 = arith.constant 0 : i32
    return %select_n3A_7, %c0_i32 : i32, i32
  }
}

module attributes {stable_mosaic.version = 14 : i64} {
  func.func @_layer_body(%arg0: i32, %arg1: memref<2x2000x128xf32, #tpu.memory_space<vmem>>, %arg2: memref<2000x8xf32, #tpu.memory_space<vmem>>, %arg3: memref<2x128x128xf32, #tpu.memory_space<vmem>>, %arg4: memref<1x128xf32, #tpu.memory_space<vmem>>, %arg5: memref<2x2000x128xf32, #tpu.memory_space<vmem>>) attributes {dimension_semantics = [#tpu.dimension_semantics<arbitrary>], iteration_bounds = array<i64: 5>, scalar_prefetch = 0 : i64, scratch_operands = 0 : i64, tpu.core_type = #tpu.core_type<tc>, window_params = [{transform_indices = @transform_0, window_bounds = array<i64: 2, 2000, 128>}, {transform_indices = @transform_1, window_bounds = array<i64: 2000, 8>}, {pipeline_mode = #tpu.pipeline_mode<synchronous>, transform_indices = @transform_2, window_bounds = array<i64: 2, 128, 128>}, {pipeline_mode = #tpu.pipeline_mode<synchronous>, transform_indices = @transform_3, window_bounds = array<i64: 1, 128>}, {transform_indices = @transform_4, window_bounds = array<i64: 2, 2000, 128>}]} {
    %get3A = arith.constant 0 : index
    %get3A_0 = arith.constant 0 : index
    %get3A_1 = arith.constant 0 : index
    %get3A_2 = vector.load %arg1[%get3A, %get3A_0, %get3A_1] : memref<2x2000x128xf32, #tpu.memory_space<vmem>>, vector<1x2000x128xf32>
    %get3A_3 = vector.shape_cast %get3A_2 : vector<1x2000x128xf32> to vector<2000x128xf32>
    %get3A_4 = arith.constant 0 : index
    %get3A_5 = arith.constant 1 : index
    %get3A_6 = vector.load %arg2[%get3A_4, %get3A_5] : memref<2000x8xf32, #tpu.memory_space<vmem>>, vector<2000x1xf32>
    %mul3A = vector.broadcast %get3A_6 : vector<2000x1xf32> to vector<2000x128xf32>
    %mul3A_7 = arith.mulf %get3A_3, %mul3A : vector<2000x128xf32>
    %get3A_8 = arith.constant 1 : index
    %get3A_9 = arith.constant 0 : index
    %get3A_10 = arith.constant 0 : index
    %get3A_11 = vector.load %arg1[%get3A_8, %get3A_9, %get3A_10] : memref<2x2000x128xf32, #tpu.memory_space<vmem>>, vector<1x2000x128xf32>
    %get3A_12 = vector.shape_cast %get3A_11 : vector<1x2000x128xf32> to vector<2000x128xf32>
    %get3A_13 = arith.constant 0 : index
    %get3A_14 = arith.constant 3 : index
    %get3A_15 = vector.load %arg2[%get3A_13, %get3A_14] : memref<2000x8xf32, #tpu.memory_space<vmem>>, vector<2000x1xf32>
    %mul3A_16 = vector.broadcast %get3A_15 : vector<2000x1xf32> to vector<2000x128xf32>
    %mul3A_17 = arith.mulf %get3A_12, %mul3A_16 : vector<2000x128xf32>
    %get3A_18 = arith.constant 0 : index
    %get3A_19 = arith.constant 0 : index
    %get3A_20 = arith.constant 0 : index
    %get3A_21 = vector.load %arg3[%get3A_18, %get3A_19, %get3A_20] : memref<2x128x128xf32, #tpu.memory_space<vmem>>, vector<1x128x128xf32>
    %get3A_22 = vector.shape_cast %get3A_21 : vector<1x128x128xf32> to vector<128x128xf32>
    %dot_general3A = arith.constant dense<0.000000e+00> : vector<2000x128xf32>
    %dot_general3A_23 = tpu.matmul %mul3A_7, %get3A_22, %dot_general3A {dimension_numbers = #tpu.dot_dimension_numbers<[1], [0], [0], [1], [0, 0, 1, 1], [], []>, transpose_lhs_hint = false} : vector<2000x128xf32>, vector<128x128xf32>, vector<2000x128xf32> -> vector<2000x128xf32>
    %get3A_24 = arith.constant 1 : index
    %get3A_25 = arith.constant 0 : index
    %get3A_26 = arith.constant 0 : index
    %get3A_27 = vector.load %arg3[%get3A_24, %get3A_25, %get3A_26] : memref<2x128x128xf32, #tpu.memory_space<vmem>>, vector<1x128x128xf32>
    %get3A_28 = vector.shape_cast %get3A_27 : vector<1x128x128xf32> to vector<128x128xf32>
    %dot_general3A_29 = arith.constant dense<0.000000e+00> : vector<2000x128xf32>
    %dot_general3A_30 = tpu.matmul %mul3A_17, %get3A_28, %dot_general3A_29 {dimension_numbers = #tpu.dot_dimension_numbers<[1], [0], [0], [1], [0, 0, 1, 1], [], []>, transpose_lhs_hint = false} : vector<2000x128xf32>, vector<128x128xf32>, vector<2000x128xf32> -> vector<2000x128xf32>
    %add3A = arith.addf %dot_general3A_23, %dot_general3A_30 : vector<2000x128xf32>
    %get3A_31 = arith.constant 0 : index
    %get3A_32 = arith.constant 0 : index
    %get3A_33 = vector.load %arg4[%get3A_31, %get3A_32] : memref<1x128xf32, #tpu.memory_space<vmem>>, vector<1x128xf32>
    %add3A_34 = vector.broadcast %get3A_33 : vector<1x128xf32> to vector<2000x128xf32>
    %add3A_35 = arith.addf %add3A, %add3A_34 : vector<2000x128xf32>
    %mul3A_36 = arith.constant 5.000000e-01 : f32
    %mul3A_37 = vector.broadcast %mul3A_36 : f32 to vector<2000x128xf32>
    %mul3A_38 = arith.mulf %mul3A_37, %add3A_35 : vector<2000x128xf32>
    %max3A = arith.constant 0.000000e+00 : f32
    %max3A_39 = vector.broadcast %max3A : f32 to vector<2000x128xf32>
    %max3A_40 = arith.maximumf %mul3A_38, %max3A_39 : vector<2000x128xf32>
    %get3A_41 = arith.constant 0 : index
    %get3A_42 = arith.constant 4 : index
    %get3A_43 = vector.load %arg2[%get3A_41, %get3A_42] : memref<2000x8xf32, #tpu.memory_space<vmem>>, vector<2000x1xf32>
    %mul3A_44 = vector.broadcast %get3A_43 : vector<2000x1xf32> to vector<2000x128xf32>
    %mul3A_45 = arith.mulf %max3A_40, %mul3A_44 : vector<2000x128xf32>
    %swap3A = arith.constant 0 : index
    %swap3A_46 = arith.constant 0 : index
    %swap3A_47 = arith.constant 0 : index
    %swap3A_48 = vector.load %arg5[%swap3A, %swap3A_46, %swap3A_47] : memref<2x2000x128xf32, #tpu.memory_space<vmem>>, vector<1x2000x128xf32>
    %swap3A_49 = vector.shape_cast %swap3A_48 : vector<1x2000x128xf32> to vector<2000x128xf32>
    %swap3A_50 = vector.shape_cast %mul3A_45 : vector<2000x128xf32> to vector<1x2000x128xf32>
    tpu.vector_store %arg5[%swap3A, %swap3A_46, %swap3A_47], %swap3A_50 {strides = array<i32>} : memref<2x2000x128xf32, #tpu.memory_space<vmem>>, vector<1x2000x128xf32>,
    %get3A_51 = arith.constant 0 : index
    %get3A_52 = arith.constant 6 : index
    %get3A_53 = vector.load %arg2[%get3A_51, %get3A_52] : memref<2000x8xf32, #tpu.memory_space<vmem>>, vector<2000x1xf32>
    %mul3A_54 = vector.broadcast %get3A_53 : vector<2000x1xf32> to vector<2000x128xf32>
    %mul3A_55 = arith.mulf %max3A_40, %mul3A_54 : vector<2000x128xf32>
    %swap3A_56 = arith.constant 1 : index
    %swap3A_57 = arith.constant 0 : index
    %swap3A_58 = arith.constant 0 : index
    %swap3A_59 = vector.load %arg5[%swap3A_56, %swap3A_57, %swap3A_58] : memref<2x2000x128xf32, #tpu.memory_space<vmem>>, vector<1x2000x128xf32>
    %swap3A_60 = vector.shape_cast %swap3A_59 : vector<1x2000x128xf32> to vector<2000x128xf32>
    %swap3A_61 = vector.shape_cast %mul3A_55 : vector<2000x128xf32> to vector<1x2000x128xf32>
    tpu.vector_store %arg5[%swap3A_56, %swap3A_57, %swap3A_58], %swap3A_61 {strides = array<i32>} : memref<2x2000x128xf32, #tpu.memory_space<vmem>>, vector<1x2000x128xf32>,
    return
  }
  func.func @transform_0(%arg0: i32) -> (i32, i32, i32) {
    %c0_i32 = arith.constant 0 : i32
    %c0_i32_0 = arith.constant 0 : i32
    %c0_i32_1 = arith.constant 0 : i32
    return %c0_i32, %arg0, %c0_i32_0 : i32, i32, i32
  }
  func.func @transform_1(%arg0: i32) -> (i32, i32) {
    %c0_i32 = arith.constant 0 : i32
    %c0_i32_0 = arith.constant 0 : i32
    return %arg0, %c0_i32 : i32, i32
  }
  func.func @transform_2(%arg0: i32) -> (i32, i32, i32) {
    %c0_i32 = arith.constant 0 : i32
    %c0_i32_0 = arith.constant 0 : i32
    %c0_i32_1 = arith.constant 0 : i32
    %c0_i32_2 = arith.constant 0 : i32
    return %c0_i32, %c0_i32_0, %c0_i32_1 : i32, i32, i32
  }
  func.func @transform_3(%arg0: i32) -> (i32, i32) {
    %c0_i32 = arith.constant 0 : i32
    %c0_i32_0 = arith.constant 0 : i32
    %c0_i32_1 = arith.constant 0 : i32
    return %c0_i32, %c0_i32_0 : i32, i32
  }
  func.func @transform_4(%arg0: i32) -> (i32, i32, i32) {
    %c0_i32 = arith.constant 0 : i32
    %c0_i32_0 = arith.constant 0 : i32
    %c0_i32_1 = arith.constant 0 : i32
    return %c0_i32, %arg0, %c0_i32_0 : i32, i32, i32
  }
}

module attributes {stable_mosaic.version = 14 : i64} {
  func.func @_final_body(%arg0: i32, %arg1: memref<2x2000x128xf32, #tpu.memory_space<vmem>>, %arg2: memref<2000x8xf32, #tpu.memory_space<vmem>>, %arg3: memref<2x128x128xf32, #tpu.memory_space<vmem>>, %arg4: memref<1x128xf32, #tpu.memory_space<vmem>>, %arg5: memref<128x40xf32, #tpu.memory_space<vmem>>, %arg6: memref<1x40xf32, #tpu.memory_space<vmem>>, %arg7: memref<2000x40xf32, #tpu.memory_space<vmem>>) attributes {dimension_semantics = [#tpu.dimension_semantics<arbitrary>], iteration_bounds = array<i64: 5>, scalar_prefetch = 0 : i64, scratch_operands = 0 : i64, tpu.core_type = #tpu.core_type<tc>, window_params = [{transform_indices = @transform_0, window_bounds = array<i64: 2, 2000, 128>}, {transform_indices = @transform_1, window_bounds = array<i64: 2000, 8>}, {pipeline_mode = #tpu.pipeline_mode<synchronous>, transform_indices = @transform_2, window_bounds = array<i64: 2, 128, 128>}, {pipeline_mode = #tpu.pipeline_mode<synchronous>, transform_indices = @transform_3, window_bounds = array<i64: 1, 128>}, {pipeline_mode = #tpu.pipeline_mode<synchronous>, transform_indices = @transform_4, window_bounds = array<i64: 128, 40>}, {pipeline_mode = #tpu.pipeline_mode<synchronous>, transform_indices = @transform_5, window_bounds = array<i64: 1, 40>}, {transform_indices = @transform_6, window_bounds = array<i64: 2000, 40>}]} {
    %get3A = arith.constant 0 : index
    %get3A_0 = arith.constant 0 : index
    %get3A_1 = arith.constant 0 : index
    %get3A_2 = vector.load %arg1[%get3A, %get3A_0, %get3A_1] : memref<2x2000x128xf32, #tpu.memory_space<vmem>>, vector<1x2000x128xf32>
    %get3A_3 = vector.shape_cast %get3A_2 : vector<1x2000x128xf32> to vector<2000x128xf32>
    %get3A_4 = arith.constant 0 : index
    %get3A_5 = arith.constant 5 : index
    %get3A_6 = vector.load %arg2[%get3A_4, %get3A_5] : memref<2000x8xf32, #tpu.memory_space<vmem>>, vector<2000x1xf32>
    %mul3A = vector.broadcast %get3A_6 : vector<2000x1xf32> to vector<2000x128xf32>
    %mul3A_7 = arith.mulf %get3A_3, %mul3A : vector<2000x128xf32>
    %get3A_8 = arith.constant 1 : index
    %get3A_9 = arith.constant 0 : index
    %get3A_10 = arith.constant 0 : index
    %get3A_11 = vector.load %arg1[%get3A_8, %get3A_9, %get3A_10] : memref<2x2000x128xf32, #tpu.memory_space<vmem>>, vector<1x2000x128xf32>
    %get3A_12 = vector.shape_cast %get3A_11 : vector<1x2000x128xf32> to vector<2000x128xf32>
    %get3A_13 = arith.constant 0 : index
    %get3A_14 = arith.constant 7 : index
    %get3A_15 = vector.load %arg2[%get3A_13, %get3A_14] : memref<2000x8xf32, #tpu.memory_space<vmem>>, vector<2000x1xf32>
    %mul3A_16 = vector.broadcast %get3A_15 : vector<2000x1xf32> to vector<2000x128xf32>
    %mul3A_17 = arith.mulf %get3A_12, %mul3A_16 : vector<2000x128xf32>
    %get3A_18 = arith.constant 0 : index
    %get3A_19 = arith.constant 0 : index
    %get3A_20 = arith.constant 0 : index
    %get3A_21 = vector.load %arg3[%get3A_18, %get3A_19, %get3A_20] : memref<2x128x128xf32, #tpu.memory_space<vmem>>, vector<1x128x128xf32>
    %get3A_22 = vector.shape_cast %get3A_21 : vector<1x128x128xf32> to vector<128x128xf32>
    %dot_general3A = arith.constant dense<0.000000e+00> : vector<2000x128xf32>
    %dot_general3A_23 = tpu.matmul %mul3A_7, %get3A_22, %dot_general3A {dimension_numbers = #tpu.dot_dimension_numbers<[1], [0], [0], [1], [0, 0, 1, 1], [], []>, transpose_lhs_hint = false} : vector<2000x128xf32>, vector<128x128xf32>, vector<2000x128xf32> -> vector<2000x128xf32>
    %get3A_24 = arith.constant 1 : index
    %get3A_25 = arith.constant 0 : index
    %get3A_26 = arith.constant 0 : index
    %get3A_27 = vector.load %arg3[%get3A_24, %get3A_25, %get3A_26] : memref<2x128x128xf32, #tpu.memory_space<vmem>>, vector<1x128x128xf32>
    %get3A_28 = vector.shape_cast %get3A_27 : vector<1x128x128xf32> to vector<128x128xf32>
    %dot_general3A_29 = arith.constant dense<0.000000e+00> : vector<2000x128xf32>
    %dot_general3A_30 = tpu.matmul %mul3A_17, %get3A_28, %dot_general3A_29 {dimension_numbers = #tpu.dot_dimension_numbers<[1], [0], [0], [1], [0, 0, 1, 1], [], []>, transpose_lhs_hint = false} : vector<2000x128xf32>, vector<128x128xf32>, vector<2000x128xf32> -> vector<2000x128xf32>
    %add3A = arith.addf %dot_general3A_23, %dot_general3A_30 : vector<2000x128xf32>
    %get3A_31 = arith.constant 0 : index
    %get3A_32 = arith.constant 0 : index
    %get3A_33 = vector.load %arg4[%get3A_31, %get3A_32] : memref<1x128xf32, #tpu.memory_space<vmem>>, vector<1x128xf32>
    %add3A_34 = vector.broadcast %get3A_33 : vector<1x128xf32> to vector<2000x128xf32>
    %add3A_35 = arith.addf %add3A, %add3A_34 : vector<2000x128xf32>
    %mul3A_36 = arith.constant 5.000000e-01 : f32
    %mul3A_37 = vector.broadcast %mul3A_36 : f32 to vector<2000x128xf32>
    %mul3A_38 = arith.mulf %mul3A_37, %add3A_35 : vector<2000x128xf32>
    %get3A_39 = arith.constant 0 : index
    %get3A_40 = arith.constant 0 : index
    %get3A_41 = vector.load %arg5[%get3A_39, %get3A_40] : memref<128x40xf32, #tpu.memory_space<vmem>>, vector<128x40xf32>
    %dot_general3A_42 = arith.constant dense<0.000000e+00> : vector<2000x40xf32>
    %dot_general3A_43 = tpu.matmul %mul3A_38, %get3A_41, %dot_general3A_42 {dimension_numbers = #tpu.dot_dimension_numbers<[1], [0], [0], [1], [0, 0, 1, 1], [], []>, transpose_lhs_hint = false} : vector<2000x128xf32>, vector<128x40xf32>, vector<2000x40xf32> -> vector<2000x40xf32>
    %get3A_44 = arith.constant 0 : index
    %get3A_45 = arith.constant 0 : index
    %get3A_46 = vector.load %arg6[%get3A_44, %get3A_45] : memref<1x40xf32, #tpu.memory_space<vmem>>, vector<1x40xf32>
    %add3A_47 = vector.broadcast %get3A_46 : vector<1x40xf32> to vector<2000x40xf32>
    %add3A_48 = arith.addf %dot_general3A_43, %add3A_47 : vector<2000x40xf32>
    %swap3A = arith.constant 0 : index
    %swap3A_49 = arith.constant 0 : index
    %swap3A_50 = vector.load %arg7[%swap3A, %swap3A_49] : memref<2000x40xf32, #tpu.memory_space<vmem>>, vector<2000x40xf32>
    tpu.vector_store %arg7[%swap3A, %swap3A_49], %add3A_48 {strides = array<i32>} : memref<2000x40xf32, #tpu.memory_space<vmem>>, vector<2000x40xf32>,
    return
  }
  func.func @transform_0(%arg0: i32) -> (i32, i32, i32) {
    %c0_i32 = arith.constant 0 : i32
    %c0_i32_0 = arith.constant 0 : i32
    %c0_i32_1 = arith.constant 0 : i32
    return %c0_i32, %arg0, %c0_i32_0 : i32, i32, i32
  }
  func.func @transform_1(%arg0: i32) -> (i32, i32) {
    %c0_i32 = arith.constant 0 : i32
    %c0_i32_0 = arith.constant 0 : i32
    return %arg0, %c0_i32 : i32, i32
  }
  func.func @transform_2(%arg0: i32) -> (i32, i32, i32) {
    %c0_i32 = arith.constant 0 : i32
    %c0_i32_0 = arith.constant 0 : i32
    %c0_i32_1 = arith.constant 0 : i32
    %c0_i32_2 = arith.constant 0 : i32
    return %c0_i32, %c0_i32_0, %c0_i32_1 : i32, i32, i32
  }
  func.func @transform_3(%arg0: i32) -> (i32, i32) {
    %c0_i32 = arith.constant 0 : i32
    %c0_i32_0 = arith.constant 0 : i32
    %c0_i32_1 = arith.constant 0 : i32
    return %c0_i32, %c0_i32_0 : i32, i32
  }
  func.func @transform_4(%arg0: i32) -> (i32, i32) {
    %c0_i32 = arith.constant 0 : i32
    %c0_i32_0 = arith.constant 0 : i32
    %c0_i32_1 = arith.constant 0 : i32
    return %c0_i32, %c0_i32_0 : i32, i32
  }
  func.func @transform_5(%arg0: i32) -> (i32, i32) {
    %c0_i32 = arith.constant 0 : i32
    %c0_i32_0 = arith.constant 0 : i32
    %c0_i32_1 = arith.constant 0 : i32
    return %c0_i32, %c0_i32_0 : i32, i32
  }
  func.func @transform_6(%arg0: i32) -> (i32, i32) {
    %c0_i32 = arith.constant 0 : i32
    %c0_i32_0 = arith.constant 0 : i32
    return %arg0, %c0_i32 : i32, i32
  }
}

</mosaic_0001>

<sc_bundles>
// kernel: kernel.11.cloned.1.call-start
scs
__scs_entry_jumppad:
0x0: {  	(pc) =	sbr.rel $0x88, $3  }
0x1: {  	(tag) =	ssettag $0x0;
	lr =	simm.s32 $0x1  }
0x2: {  	[smem:$0x3F92] =	sst lr;
	_ =	strace $0xD0000000  }
0x3: {  	_ = 	snop  }
0x4: {  	_ = 	snop  }
0x5: {  	_ = 	snop  }
0x6: {  	_ = 	snop  }
0x7: {  	_ = 	snop  }
__scs_overlays_trampoline_lowered:
0x8: {  	[smem:$0x3FA1] =	sst s0  }
0x9: {  	[smem:$0x3FA2] =	sst s1  }
0xa: {  	[smem:$0x3FA3] =	sst s2  }
0xb: {  	[smem:$0x3FA4] =	sst s3  }
0xc: {  	[smem:$0x3FA5] =	sst s4  }
0xd: {  	[smem:$0x3FA6] =	sst s5  }
0xe: {  	[smem:$0x3FA7] =	sst s6  }
0xf: {  	[smem:$0x3FA8] =	sst s7  }
0x10: {  	[smem:$0x3FA9] =	sst s8  }
0x11: {  	[smem:$0x3FAA] =	sst s9;
	s0 =	simm.s32 @!p0 $0x0  }
0x12: {  	s1 =	sld [smem:$0x3F90];
	s0 =	simm.s32 @p0 $0x1  }
0x13: {  	[smem:$0x3FAB] =	sst s0;
	s0 =	simm.s32 @!p1 $0x0  }
0x14: {  	s2 =	sld [smem:$0x3F8F];
	s0 =	simm.s32 @p1 $0x1  }
0x15: {  	[smem:$0x3FAC] =	sst s0;
	s0 =	simm.s32 @!p2 $0x0  }
0x16: {  	s3 =	sld [smem:$0x3FDB];
	s0 =	simm.s32 @p2 $0x1  }
0x17: {  	s4 =	simm.s32 $0x1BF5;
	[smem:$0x3FAE] =	sst s0  }
0x18: {  	s0 =	sld [smem:$0x3F91];
	_ =	swait.ge [sflag:s4], $0x0  }
0x19: {  	s7 =	sld [smem:$0x3F92]  }
0x1a: {  	s8 =	sadd.s32 $0xFFFFE003, lr  }
0x1b: {  	s9 =	sadd.s32 $0xFFFFFEF7, lr;
	s5 =	simm.s32 $0xFFFFFFFF;
	p2 =	slt.u32 s8, $0xFFFFF086  }
0x1c: {  	p1 =	slt.u32 s9, $0xF7A;
	s5 =	simm.s32 @!p2 $0x0  }
0x1d: {  	s5 =	simm.s32 @p1 $0x1;
	p0 =	seq.s32 s7, s2  }
0x1e: {  	s7 =	smul.u32 @!p0 $0xF7A, s2;
	p2 =	seq.s32 @!p0 s5, $0x0  }
0x1f: {  	s9 =	smul.u32 $0xF7A, s1;
	s8 =	simm.s32 @!p0 $0x1BF5;
	p2 =	por !p2, p0  }
0x20: {  	[sflag:s8] =	ssyncset.s32 @!p0 $0xFFFFF086;
	s6 =	sadd.s32 @!p0 s3, s7;
	s7 =	simm.s32 @!p0 $0x108  }
0x21: {  	s3 =	sadd.s32 s3, s9;
	s6 =	sadd.s32 @!p0 $0x88, s6;
	s7 =	simm.s32 @p2 $0x1082  }
0x22: {  	[simem:s7], [sflag:s8] =	dma.local @!p0 [hbm:s6], $0xF7A  }
0x23: {  	s9 =	sor.u32 $0xD0000000, s2;
	s6 =	simm.s32 $0x108;
	_ =	swait.ge @!p0 [sflag:s8], $0x0  }
0x24: {  	s3 =	sadd.s32 $0x88, s3;
	s6 =	simm.s32 @!p1 $0x1082;
	[sflag:s4] =	ssyncset.s32 $0xFFFFF086  }
0x25: {  	[simem:s6], [sflag:s4] =	dma.local [hbm:s3], $0xF7A  }
0x26: {  	[smem:$0x3F92] =	sst s1;
	(tag) =	ssettag s2;
	_ =	strace s9  }
0x27: {  	s1 =	sld [smem:$0x3FA2]  }
0x28: {  	s2 =	sld [smem:$0x3FA3]  }
0x29: {  	s4 =	sld [smem:$0x3FA5]  }
0x2a: {  	p0 =	seq.s32 s5, $0x0;
	s5 =	sld [smem:$0x3FA6]  }
0x2b: {  	s6 =	sld [smem:$0x3FA7]  }
0x2c: {  	s7 =	sld [smem:$0x3FA8]  }
0x2d: {  	s3 =	simm.s32 $0x108;
	s8 =	sld [smem:$0x3FA9]  }
0x2e: {  	s3 =	simm.s32 @!p0 $0x1082;
	s9 =	sld [smem:$0x3FAA]  }
0x2f: {  	lr =	sadd.s32 s0, s3;
	s0 =	sld [smem:$0x3FA1]  }
0x30: {  	s3 =	sld [smem:$0x3FA4]  }
0x31: {  	[smem:$0x3FAD] =	sst s10  }
0x32: {  	s10 =	sld [smem:$0x3FAB];
	_ =	sdelay $0x3  }
0x33: {  	p0 =	seq.s32 s10, $0x1;
	s10 =	sld [smem:$0x3FAD];
	_ =	sdelay $0x3  }
0x34: {  	[smem:$0x3FAD] =	sst s10  }
0x35: {  	s10 =	sld [smem:$0x3FAC];
	_ =	sdelay $0x3  }
0x36: {  	p1 =	seq.s32 s10, $0x1;
	s10 =	sld [smem:$0x3FAD];
	_ =	sdelay $0x3  }
0x37: {  	[smem:$0x3FAD] =	sst s10  }
0x38: {  	s10 =	sld [smem:$0x3FAE]  }
0x39: {  	_ = 	snop;
	(pc) =	sbr.ind lr, $3  }
0x3a: {  	_ = 	snop  }
0x3b: {  	_ = 	snop  }
0x3c: {  	p2 =	seq.s32 s10, $0x1;
	s10 =	sld [smem:$0x3FAD]  }
0x3d: {  	_ =	shalt  }
0x3e: {  	_ =	shalt  }
0x3f: {  	_ =	shalt  }
0x40: {  	_ =	shalt  }
0x41: {  	_ =	shalt  }
0x42: {  	_ =	shalt  }
0x43: {  	_ =	shalt  }
0x44: {  	_ =	shalt  }
0x45: {  	_ =	shalt  }
0x46: {  	_ =	shalt  }
0x47: {  	_ =	shalt  }
0x48: {  	_ =	shalt  }
0x49: {  	_ =	shalt  }
0x4a: {  	_ =	shalt  }
0x4b: {  	_ =	shalt  }
0x4c: {  	_ =	shalt  }
0x4d: {  	_ =	shalt  }
0x4e: {  	_ =	shalt  }
0x4f: {  	_ =	shalt  }
0x50: {  	_ =	shalt  }
0x51: {  	_ =	shalt  }
0x52: {  	_ =	shalt  }
0x53: {  	_ =	shalt  }
0x54: {  	_ =	shalt  }
0x55: {  	_ =	shalt  }
0x56: {  	_ =	shalt  }
0x57: {  	_ =	shalt  }
0x58: {  	_ =	shalt  }
0x59: {  	_ =	shalt  }
0x5a: {  	_ =	shalt  }
0x5b: {  	_ =	shalt  }
0x5c: {  	_ =	shalt  }
0x5d: {  	_ =	shalt  }
0x5e: {  	_ =	shalt  }
0x5f: {  	_ =	shalt  }
0x60: {  	_ =	shalt  }
0x61: {  	_ =	shalt  }
0x62: {  	_ =	shalt  }
0x63: {  	_ =	shalt  }
0x64: {  	_ =	shalt  }
0x65: {  	_ =	shalt  }
0x66: {  	_ =	shalt  }
0x67: {  	_ =	shalt  }
0x68: {  	_ =	shalt  }
0x69: {  	_ =	shalt  }
0x6a: {  	_ =	shalt  }
0x6b: {  	_ =	shalt  }
0x6c: {  	_ =	shalt  }
0x6d: {  	_ =	shalt  }
0x6e: {  	_ =	shalt  }
0x6f: {  	_ =	shalt  }
0x70: {  	_ =	shalt  }
0x71: {  	_ =	shalt  }
0x72: {  	_ =	shalt  }
0x73: {  	_ =	shalt  }
0x74: {  	_ =	shalt  }
0x75: {  	_ =	shalt  }
0x76: {  	_ =	shalt  }
0x77: {  	_ =	shalt  }
0x78: {  	_ =	shalt  }
0x79: {  	_ =	shalt  }
0x7a: {  	_ =	shalt  }
0x7b: {  	_ =	shalt  }
0x7c: {  	_ =	shalt  }
0x7d: {  	_ =	shalt  }
0x7e: {  	_ =	shalt  }
0x7f: {  	_ =	shalt  }
0x80: {  	_ =	shalt  }
0x81: {  	_ =	shalt  }
0x82: {  	_ =	shalt  }
0x83: {  	_ =	shalt  }
0x84: {  	_ =	shalt  }
0x85: {  	_ =	shalt  }
0x86: {  	_ =	shalt  }
0x87: {  	_ =	shalt  }
.Lfunc_end0:
.L_simem_size_0:
called_computation.1_lowered:
.L_overlay_start_0:
0x88: {  	s2 =	sld [smem:$0x3FD9]  }
0x89: {  	s3 =	sld [smem:$0x3FFE];
	_ =	sdelay $0x1  }
0x8a: {  	s1 =	srdreg.scid  }
0x8b: {  	s0 =	sand.u32 $0x1, s1  }
0x8c: {  	s17 =	sshll.u32 s0, $0xA;
	s2 =	sadd.s32 s3, s2  }
0x8d: {  	s2 =	sadd.s32 s2, s17  }
0x8e: {  	[smem:$0x3FB9] =	sst s2  }
0x8f: {  	_ = 	snop  }
0x90: {  	s2 =	sld [smem:$0x3FD0];
	(tm) =	ssettm $0x1  }
0x91: {  	s18 =	sld [smem:$0x3FFB];
	_ =	sdelay $0x3  }
0x92: {  	_ =	strace s18  }
0x93: {  	s3 =	sld [smem:$0x3FFC];
	_ =	sdelay $0x3  }
0x94: {  	_ =	strace s3  }
0x95: {  	s3 =	sld [smem:$0x3FFD];
	_ =	sdelay $0x3  }
0x96: {  	_ =	strace s3  }
0x97: {  	_ =	strace $0x8FFFFFFF  }
0x98: {  	s19 =	sld [smem:$0x3FDB];
	_ =	sdelay $0x1  }
0x99: {  	s4 =	simm.s32 $_scs_section_size  }
0x9a: {  	s5 =	simm.s32 $_size__tile_overlayer_lowered;
	s6 =	simm.s32 $_tile_overlayer_lowered  }
0x9b: {  	s22 =	simm.s32 $0x1BFF;
	s21 =	sshll.u32 s6, $0x1;
	s3 =	sadd.s32 s4, s19  }
0x9c: {  	s7 =	simm.s32 $0x0;
	s20 =	sshll.u32 s5, $0x1;
	s5 =	sadd.s32 s21, s3  }
0x9d: {  	[timem:s7], [sflag:s22] =	dma.local [hbm:s5], s20  }
0x9e: {  	_ =	swait.ge [sflag:s22], s20  }
0x9f: {  	s4 =	ssub.s32 $0x0, s20;
	[sflag:s22] =	ssyncset.done $0x0  }
0xa0: {  	[sflag:s22] =	ssyncadd.s32 s4;
	_ =	sdelay $0x1  }
0xa1: {  	s23 =	simm.s32 $0x1B8B  }
0xa2: {  	_ =	swait.ge [sflag:s23], $0x1  }
0xa3: {  	[sflag:s23] =	ssyncset.done $0x0  }
0xa4: {  	s25 =	simm.s32 $0x1B8E;
	s24 =	sld [smem:$0x3FFE];
	[sflag:s23] =	ssyncadd.s32 $0xFFFFFFFF  }
0xa5: {  	s26 =	simm.s32 $execute0_lowered;
	[smem:$0x3FD2] =	sst s25  }
0xa6: {  	s5 =	sshll.u32 s26, $0x1;
	_ =	strace $0x80000049;
	[dreg:$0x1] =	wrdreg $0xFFFFFFFF  }
0xa7: {  	s28 =	simm.s32 $_size_execute0_lowered;
	s3 =	sadd.s32 s3, s5;
	[dreg:$0x0] =	wrdreg $0x0  }
0xa8: {  	s5 =	sshll.u32 s28, $0x1;
	[dreg:$0x2] =	wrdreg s3  }
0xa9: {  	[dreg:$0x3] =	wrdreg s5  }
0xaa: {  	[dreg:$0x4] =	wrdreg $0xC0  }
0xab: {  	_ =	task [dreg:s7], $0x5FFFF  }
0xac: {  	[dreg:$0x1] =	wrdreg $0xFFFFFFFF  }
0xad: {  	[dreg:$0x0] =	wrdreg $0x60  }
0xae: {  	[dreg:$0x2] =	wrdreg s24  }
0xaf: {  	[dreg:$0x3] =	wrdreg s2  }
0xb0: {  	[dreg:$0x4] =	wrdreg $0x0  }
0xb1: {  	[dreg:$0x5] =	wrdreg $0x9  }
0xb2: {  	_ =	task.clear_ibuf [dreg:s7], $0x6FFFF;
	_ =	strace $0x90000049  }
0xb3: {  	s29 =	simm.s32 $0x9;
	_ =	strace $0x8000004B  }
0xb4: {  	_ =	swait.ge [sflag:s29], $0x1  }
0xb5: {  	[sflag:s29] =	ssyncadd.s32 $0xFFFFFFFF  }
0xb6: {  	_ =	strace $0x9000004B  }
0xb7: {  	_ =	sfence  }
0xb8: {  	s30 =	sld [smem:$0x0];
	_ =	sdelay $0x2  }
0xb9: {  	s31 =	sshll.u32 s1, $0xD;
	s1 =	sshrl.u32 s1, $0x2  }
0xba: {  	s3 =	sand.u32 $0x4000, s31;
	s1 =	sadd.s32 s1, s30  }
0xbb: {  	s0 =	sor.u32 s3, s0;
	s1 =	sshll.u32 s1, $0x11  }
0xbc: {  	s0 =	sor.u32 s1, s0  }
0xbd: {  	s0 =	sadd.s32 $0x8F2B, s0  }
0xbe: {  	[sflag:s0] =	ssyncadd.remote.s32 $0x1  }
0xbf: {  	_ =	sfence.sel $0xFFFF  }
0xc0: {  	[dreg:$0x0] =	wrdreg $0xFFFFFFFF;
	(pc) =	sbr.abs _section_cstart, $3  }
0xc1: {  	[dreg:$0x1] =	wrdreg $0xFFFFFFFF  }
0xc2: {  	_ =	task.clear_ibuf [dreg:s7], $0x2FFFF;
	_ =	strace $0x9FFFFFFF  }
0xc3: {  	(tm) =	ssettm $0x7FFFFFFF  }
tec
execute0_lowered:
.L_overlay_start_1:
0x0: {  	(tag) =	ssettag $0x1  }
0x1: {  	s5 =	rddreg [dreg:$0x0]  }
0x2: {  	s1 =	srdreg.scid;
	s0 =	rddreg [dreg:$0x1]  }
0x3: {  	s11 =	stileid.u32;
	s2 =	rddreg [dreg:$0x2]  }
0x4: {  	s3 =	simm.s32 $0x0;
	s15 =	simm.s32 $0x80;
	s16 =	simm.s32 $0x13A00  }
0x5: {  	s17 =	simm.s32 $0x13900;
	s18 =	simm.s32 $0x17A00;
	s19 =	simm.s32 $0x13980  }
0x6: {  	s20 =	simm.s32 $0x2;
	s21 =	simm.s32 $0x1;
	s7 =	smul.u32 $0x5000, s11  }
0x7: {  	s6 =	sand.u32 $0x1, s1;
	s1 =	rddreg [dreg:$0x3];
	s26 =	smul.u32 $0x4E000, s11  }
0x8: {  	s22 =	simm.s32 $0x0;
	[smem:$0x7FF] =	sst s3;
	s12 =	smul.u32 $0x13800, s11  }
0x9: {  	s8 =	sadd.s32 $0xE00, s5;
	s29 =	sshll.u32 s11, $0x6;
	s4 =	smul.u32 $0x50000, s6  }
0xa: {  	s14 =	sadd.s32 $0x138000, s2;
	s28 =	ssub.s32 $0x2, s6;
	s6 =	smul.u32 $0x138800, s6  }
0xb: {  	p0 =	sne.s32 s11, $0x0;
	_ =	strace $0x8000004A;
	s9 =	sshrl.u32 s28, $0x1  }
0xc: {  	s4 =	sadd.s32 s7, s4;
	s9 =	ssub.s32 s28, s9;
	s30 =	sadd.s32 s12, s6  }
0xd: {  	s6 =	sshrl.u32 s6, $0x3;
	s12 =	simm.s32 $0x3;
	s7 =	sshrl.u32 s4, $0x3  }
0xe: {  	s4 =	sadd.s32 $0x77600, s5;
	s10 =	sadd.s32 s7, s5;
	s7 =	sshrl.u32 s26, $0x2  }
0xf: {  	s31 =	sadd.s32 s8, s6;
	s13 =	sadd.s32 s7, s2;
	s7 =	sshrl.u32 s30, $0x3  }
0x10: {  	s5 =	sor.u32 $0x1C03, s29;
	s6 =	sadd.s32 s8, s7;
	s7 =	sadd.s32 $0x27000, s31  }
0x11: {  	s8 =	smax.u32 s9, $0x1;
	s9 =	sadd.s32 $0x4F600, s10;
	s10 =	sadd.s32 $0x63600, s10  }
0x12: {  	s11 =	sshrl.u32 s13, $0x3;
	s13 =	sshrl.u32 @!p0 s14, $0x3;
	s14 =	simm.s32 $0x13880  }
.LBB2_1:
0x13: {  	[spmem:s11], [sflag:s5] =	dma.local [hbm:s0], $0x2700  }
0x14: {  	_ =	swait.ge [sflag:s12], $0x2700  }
0x15: {  	[sflag:s12] =	ssyncset.done $0x0  }
0x16: {  	s23 =	simm.s32 @!p0 $0x3;
	[sflag:s12] =	ssyncadd.s32 $0xFFFFD900  }
0x17: {  	[spmem:s13], [sflag:s5] =	dma.local @!p0 [hbm:s0], $0x100  }
0x18: {  	_ =	swait.ge @!p0 [sflag:s23], $0x100  }
0x19: {  	[sflag:s23] =	ssyncset.done @!p0 $0x0  }
0x1a: {  	[sflag:s23] =	ssyncadd.s32 @!p0 $0xFFFFFF00  }
0x1b: {  	s30 =	sadd.s32 $0x0, s9;
	[bflag:$0x0] =	sbarrier.arrive $0xFFFF  }
0x1c: {  	[tilespmem:s14], [sflag:$0x3] =	stream.linear.gather [hbm4b:s30+s3], $0x80, $0x38;
	[tilespmem:$0x1BA00] =	vst v63  }
0x1d: {  	_ =	swait.ge [sflag:s12], $0x80  }
0x1e: {  	[sflag:s12] =	ssyncset.done $0x0  }
0x1f: {  	[sflag:s12] =	ssyncadd.s32 $0xFFFFFF80  }
0x20: {  	[tilespmem:s16], [sflag:$0x2] =	stream.indirect.gather [hbm4b:s4+s15], $0x80, s14, s15, $0xb8;
	[tilespmem:$0x1BA00] =	vst v63  }
0x21: {  	s23 =	sadd.s32 $0x10, s30  }
0x22: {  	[tilespmem:s17], [sflag:$0x3] =	stream.linear.gather [hbm4b:s23+s3], $0x80, $0x38;
	[tilespmem:$0x1BA00] =	vst v63  }
0x23: {  	_ =	swait.ge [sflag:s12], $0x80  }
0x24: {  	[sflag:s12] =	ssyncset.done $0x0  }
0x25: {  	[sflag:s12] =	ssyncadd.s32 $0xFFFFFF80  }
0x26: {  	[tilespmem:s18], [sflag:$0x1] =	stream.indirect.gather [hbm4b:s4+s15], $0x80, s17, s15, $0xb8;
	[tilespmem:$0x1BA00] =	vst v63  }
0x27: {  	s31 =	sadd.s32 $0x0, s10  }
0x28: {  	[tilespmem:s19], [sflag:$0x3] =	stream.linear.gather [hbm4b:s31+s3], $0x80, $0x38;
	[tilespmem:$0x1BA00] =	vst v63  }
0x29: {  	_ =	swait.ge [sflag:s12], $0x80  }
0x2a: {  	[sflag:s12] =	ssyncset.done $0x0  }
0x2b: {  	[sflag:s12] =	ssyncadd.s32 $0xFFFFFF80  }
0x2c: {  	_ =	swait.ge [sflag:s20], $0x4000  }
0x2d: {  	[sflag:s20] =	ssyncset.done $0x0  }
0x2e: {  	[sflag:s20] =	ssyncadd.s32 $0xFFFFC000  }
0x2f: {  	[spmem:s2] =	stream.indirect.scatter.add.f32 [tilespmem:s16], [sflag:$0x3], $0x80, s19, s15, $0xb8;
	[tilespmem:$0x1BA00] =	vst v63  }
0x30: {  	_ =	swait.ge [sflag:s12], $0x4000  }
0x31: {  	[sflag:s12] =	ssyncset.done $0x0  }
0x32: {  	s23 =	sadd.s32 $0x10, s31;
	[sflag:s12] =	ssyncadd.s32 $0xFFFFC000  }
0x33: {  	[tilespmem:s19], [sflag:$0x3] =	stream.linear.gather [hbm4b:s23+s3], $0x80, $0x38;
	[tilespmem:$0x1BA00] =	vst v63  }
0x34: {  	_ =	swait.ge [sflag:s12], $0x80  }
0x35: {  	[sflag:s12] =	ssyncset.done $0x0  }
0x36: {  	[sflag:s12] =	ssyncadd.s32 $0xFFFFFF80  }
0x37: {  	_ =	swait.ge [sflag:s21], $0x4000  }
0x38: {  	[sflag:s21] =	ssyncset.done $0x0  }
0x39: {  	[sflag:s21] =	ssyncadd.s32 $0xFFFFC000  }
0x3a: {  	[spmem:s2] =	stream.indirect.scatter.add.f32 [tilespmem:s18], [sflag:$0x3], $0x80, s19, s15, $0xb8;
	[tilespmem:$0x1BA00] =	vst v63  }
0x3b: {  	_ =	swait.ge [sflag:s12], $0x4000  }
0x3c: {  	s25 =	simm.s32 $0x40;
	s23 =	simm.s32 $0x20;
	[sflag:s12] =	ssyncset.done $0x0  }
.LBB2_2:
0x3d: {  	s26 =	sadd.s32 s23, s9  }
0x3e: {  	[sflag:s12] =	ssyncadd.s32 $0xFFFFC000;
	s28 =	smov.u32 s25;
	s24 =	sadd.s32 $0x20, s25  }
0x3f: {  	[tilespmem:s14], [sflag:$0x3] =	stream.linear.gather [hbm4b:s26+s3], $0x80, $0x38;
	[tilespmem:$0x1BA00] =	vst v63  }
0x40: {  	p1 =	sne.s32 s25, $0x9E0;
	_ =	swait.ge [sflag:s12], $0x80  }
0x41: {  	[sflag:s12] =	ssyncset.done $0x0  }
0x42: {  	[sflag:s12] =	ssyncadd.s32 $0xFFFFFF80  }
0x43: {  	[tilespmem:s16], [sflag:$0x2] =	stream.indirect.gather [hbm4b:s4+s15], $0x80, s14, s15, $0xb8;
	[tilespmem:$0x1BA00] =	vst v63  }
0x44: {  	s25 =	sadd.s32 $0x10, s26  }
0x45: {  	[tilespmem:s17], [sflag:$0x3] =	stream.linear.gather [hbm4b:s25+s3], $0x80, $0x38;
	[tilespmem:$0x1BA00] =	vst v63  }
0x46: {  	_ =	swait.ge [sflag:s12], $0x80  }
0x47: {  	[sflag:s12] =	ssyncset.done $0x0  }
0x48: {  	[sflag:s12] =	ssyncadd.s32 $0xFFFFFF80  }
0x49: {  	[tilespmem:s18], [sflag:$0x1] =	stream.indirect.gather [hbm4b:s4+s15], $0x80, s17, s15, $0xb8;
	[tilespmem:$0x1BA00] =	vst v63  }
0x4a: {  	s25 =	sadd.s32 s23, s10;
	s23 =	smov.u32 s28  }
0x4b: {  	[tilespmem:s19], [sflag:$0x3] =	stream.linear.gather [hbm4b:s25+s3], $0x80, $0x38;
	[tilespmem:$0x1BA00] =	vst v63  }
0x4c: {  	_ =	swait.ge [sflag:s12], $0x80  }
0x4d: {  	[sflag:s12] =	ssyncset.done $0x0  }
0x4e: {  	[sflag:s12] =	ssyncadd.s32 $0xFFFFFF80  }
0x4f: {  	_ =	swait.ge [sflag:s20], $0x4000  }
0x50: {  	[sflag:s20] =	ssyncset.done $0x0  }
0x51: {  	[sflag:s20] =	ssyncadd.s32 $0xFFFFC000  }
0x52: {  	[spmem:s2] =	stream.indirect.scatter.add.f32 [tilespmem:s16], [sflag:$0x3], $0x80, s19, s15, $0xb8;
	[tilespmem:$0x1BA00] =	vst v63  }
0x53: {  	_ =	swait.ge [sflag:s12], $0x4000  }
0x54: {  	[sflag:s12] =	ssyncset.done $0x0  }
0x55: {  	s25 =	sadd.s32 $0x10, s25;
	[sflag:s12] =	ssyncadd.s32 $0xFFFFC000  }
0x56: {  	[tilespmem:s19], [sflag:$0x3] =	stream.linear.gather [hbm4b:s25+s3], $0x80, $0x38;
	[tilespmem:$0x1BA00] =	vst v63  }
0x57: {  	_ =	swait.ge [sflag:s12], $0x80  }
0x58: {  	[sflag:s12] =	ssyncset.done $0x0  }
0x59: {  	[sflag:s12] =	ssyncadd.s32 $0xFFFFFF80  }
0x5a: {  	_ =	swait.ge [sflag:s21], $0x4000  }
.Ltmp0:
0x5b: {  	[sflag:s21] =	ssyncset.done $0x0;
	(pc) =	sbr.rel @p1 .LBB2_2-.Ltmp0, $4  }
0x5c: {  	[sflag:s21] =	ssyncadd.s32 $0xFFFFC000  }
0x5d: {  	[spmem:s2] =	stream.indirect.scatter.add.f32 [tilespmem:s18], [sflag:$0x3], $0x80, s19, s15, $0xb8;
	[tilespmem:$0x1BA00] =	vst v63  }
0x5e: {  	_ =	swait.ge [sflag:s12], $0x4000  }
0x5f: {  	s25 =	smov.u32 s24;
	[sflag:s12] =	ssyncset.done $0x0  }
0x60: {  	s24 =	sadd.s32 s23, s9;
	[sflag:s12] =	ssyncadd.s32 $0xFFFFC000  }
0x61: {  	[tilespmem:s14], [sflag:$0x3] =	stream.linear.gather [hbm4b:s24+s3], $0x80, $0x38;
	[tilespmem:$0x1BA00] =	vst v63  }
0x62: {  	_ =	swait.ge [sflag:s12], $0x80  }
0x63: {  	[sflag:s12] =	ssyncset.done $0x0  }
0x64: {  	[sflag:s12] =	ssyncadd.s32 $0xFFFFFF80  }
0x65: {  	[tilespmem:s16], [sflag:$0x2] =	stream.indirect.gather [hbm4b:s4+s15], $0x80, s14, s15, $0xb8;
	[tilespmem:$0x1BA00] =	vst v63  }
0x66: {  	s24 =	sadd.s32 $0x10, s24  }
0x67: {  	[tilespmem:s17], [sflag:$0x3] =	stream.linear.gather [hbm4b:s24+s3], $0x80, $0x38;
	[tilespmem:$0x1BA00] =	vst v63  }
0x68: {  	_ =	swait.ge [sflag:s12], $0x80  }
0x69: {  	[sflag:s12] =	ssyncset.done $0x0  }
0x6a: {  	[sflag:s12] =	ssyncadd.s32 $0xFFFFFF80  }
0x6b: {  	[tilespmem:s18], [sflag:$0x1] =	stream.indirect.gather [hbm4b:s4+s15], $0x80, s17, s15, $0xb8;
	[tilespmem:$0x1BA00] =	vst v63  }
0x6c: {  	s31 =	sadd.s32 s23, s10  }
0x6d: {  	[tilespmem:s19], [sflag:$0x3] =	stream.linear.gather [hbm4b:s31+s3], $0x80, $0x38;
	[tilespmem:$0x1BA00] =	vst v63  }
0x6e: {  	_ =	swait.ge [sflag:s12], $0x80  }
0x6f: {  	[sflag:s12] =	ssyncset.done $0x0  }
0x70: {  	[sflag:s12] =	ssyncadd.s32 $0xFFFFFF80  }
0x71: {  	_ =	swait.ge [sflag:s20], $0x4000  }
0x72: {  	[sflag:s20] =	ssyncset.done $0x0  }
0x73: {  	[sflag:s20] =	ssyncadd.s32 $0xFFFFC000  }
0x74: {  	[spmem:s2] =	stream.indirect.scatter.add.f32 [tilespmem:s16], [sflag:$0x3], $0x80, s19, s15, $0xb8;
	[tilespmem:$0x1BA00] =	vst v63  }
0x75: {  	_ =	swait.ge [sflag:s12], $0x4000  }
0x76: {  	[sflag:s12] =	ssyncset.done $0x0  }
0x77: {  	s23 =	sadd.s32 $0x10, s31;
	[sflag:s12] =	ssyncadd.s32 $0xFFFFC000  }
0x78: {  	[tilespmem:s19], [sflag:$0x3] =	stream.linear.gather [hbm4b:s23+s3], $0x80, $0x38;
	[tilespmem:$0x1BA00] =	vst v63  }
0x79: {  	_ =	swait.ge [sflag:s12], $0x80  }
0x7a: {  	[sflag:s12] =	ssyncset.done $0x0  }
0x7b: {  	[sflag:s12] =	ssyncadd.s32 $0xFFFFFF80  }
0x7c: {  	_ =	swait.ge [sflag:s21], $0x4000  }
0x7d: {  	[sflag:s21] =	ssyncset.done $0x0  }
0x7e: {  	[sflag:s21] =	ssyncadd.s32 $0xFFFFC000  }
0x7f: {  	[spmem:s2] =	stream.indirect.scatter.add.f32 [tilespmem:s18], [sflag:$0x3], $0x80, s19, s15, $0xb8;
	[tilespmem:$0x1BA00] =	vst v63  }
0x80: {  	_ =	swait.ge [sflag:s12], $0x4000  }
0x81: {  	[sflag:s12] =	ssyncset.done $0x0  }
0x82: {  	[sflag:s12] =	ssyncadd.s32 $0xFFFFC000  }
0x83: {  	[bflag:$0x0] =	sbarrier.arrive $0xFFFF  }
0x84: {  	[hbm:s6], [sflag:s5] =	dma.local [spmem:s11], $0x2700  }
0x85: {  	s22 =	sadd.s32 $0x1, s22;
	_ =	swait.ge [sflag:s12], $0x2700  }
0x86: {  	p1 =	sne.s32 s22, s8;
	[sflag:s12] =	ssyncset.done $0x0  }
.Ltmp1:
0x87: {  	s23 =	simm.s32 @!p0 $0x3;
	[sflag:s12] =	ssyncadd.s32 $0xFFFFD900;
	(pc) =	sbr.rel @p1 .LBB2_1-.Ltmp1, $4  }
0x88: {  	[hbm:s7], [sflag:s5] =	dma.local @!p0 [spmem:s13], $0x100  }
0x89: {  	_ =	swait.ge @!p0 [sflag:s23], $0x100  }
0x8a: {  	[sflag:s23] =	ssyncset.done @!p0 $0x0  }
0x8b: {  	[sflag:s23] =	ssyncadd.s32 @!p0 $0xFFFFFF00  }
0x8c: {  	_ =	sfence.sel $0x180000  }
0x8d: {  	[bflag:$0x0] =	sbarrier.arrive $0xFFFF  }
0x8e: {  	_ =	strace $0x9000004A  }
0x8f: {  	s0 =	sadd.s32 @!p0 $0x100000, s1;
	[bflag:$0x2] =	sbarrier.arrive $0xFFFF  }
0x90: {  	[sflag:s0] =	ssyncadd.tile.s32 @!p0 $0x1;
	_ =	shalt  }
.Lfunc_end2:
_tile_overlayer_lowered:
.L_overlay_start_2:
0x91: {  	(tag) =	ssettag $0x2  }
0x92: {  	s0 =	rddreg [dreg:$0x0];
	s2 =	stileid.u32  }
0x93: {  	s1 =	rddreg [dreg:$0x1];
	p0 =	sne.s32 s2, $0x0  }
0x94: {  	s3 =	rddreg [dreg:$0x2];
	[bflag:$0x3] =	sbarrier.arrive $0xFFFF;
	s2 =	simm.s32 @!p0 $0x1C03  }
0x95: {  	[timem:s3], [sflag:s2] =	dma.local @!p0 [hbm:s0], s1  }
0x96: {  	s0 =	simm.s32 @!p0 $0x3  }
0x97: {  	_ =	swait.ge @!p0 [sflag:s0], s1  }
0x98: {  	s1 =	ssub.s32 @!p0 $0x0, s1;
	[sflag:s0] =	ssyncset.done @!p0 $0x0  }
0x99: {  	[sflag:s0] =	ssyncadd.s32 @!p0 s1  }
0x9a: {  	[bflag:$0x3] =	sbarrier.arrive $0xFFFF  }
0x9b: {  	_ =	shalt  }

// kernel: kernel.14.cloned.1.call-start
scs
__scs_entry_jumppad:
0x0: {  	(pc) =	sbr.rel $0x88, $3  }
0x1: {  	(tag) =	ssettag $0x0;
	lr =	simm.s32 $0x1  }
0x2: {  	[smem:$0x3F92] =	sst lr;
	_ =	strace $0xD0000000  }
0x3: {  	_ = 	snop  }
0x4: {  	_ = 	snop  }
0x5: {  	_ = 	snop  }
0x6: {  	_ = 	snop  }
0x7: {  	_ = 	snop  }
__scs_overlays_trampoline_lowered:
0x8: {  	[smem:$0x3FA1] =	sst s0  }
0x9: {  	[smem:$0x3FA2] =	sst s1  }
0xa: {  	[smem:$0x3FA3] =	sst s2  }
0xb: {  	[smem:$0x3FA4] =	sst s3  }
0xc: {  	[smem:$0x3FA5] =	sst s4  }
0xd: {  	[smem:$0x3FA6] =	sst s5  }
0xe: {  	[smem:$0x3FA7] =	sst s6  }
0xf: {  	[smem:$0x3FA8] =	sst s7  }
0x10: {  	[smem:$0x3FA9] =	sst s8  }
0x11: {  	[smem:$0x3FAA] =	sst s9;
	s0 =	simm.s32 @!p0 $0x0  }
0x12: {  	s1 =	sld [smem:$0x3F90];
	s0 =	simm.s32 @p0 $0x1  }
0x13: {  	[smem:$0x3FAB] =	sst s0;
	s0 =	simm.s32 @!p1 $0x0  }
0x14: {  	s2 =	sld [smem:$0x3F8F];
	s0 =	simm.s32 @p1 $0x1  }
0x15: {  	[smem:$0x3FAC] =	sst s0;
	s0 =	simm.s32 @!p2 $0x0  }
0x16: {  	s3 =	sld [smem:$0x3FDB];
	s0 =	simm.s32 @p2 $0x1  }
0x17: {  	s4 =	simm.s32 $0x1BF5;
	[smem:$0x3FAE] =	sst s0  }
0x18: {  	s0 =	sld [smem:$0x3F91];
	_ =	swait.ge [sflag:s4], $0x0  }
0x19: {  	s7 =	sld [smem:$0x3F92]  }
0x1a: {  	s8 =	sadd.s32 $0xFFFFE003, lr  }
0x1b: {  	s9 =	sadd.s32 $0xFFFFFEF7, lr;
	s5 =	simm.s32 $0xFFFFFFFF;
	p2 =	slt.u32 s8, $0xFFFFF086  }
0x1c: {  	p1 =	slt.u32 s9, $0xF7A;
	s5 =	simm.s32 @!p2 $0x0  }
0x1d: {  	s5 =	simm.s32 @p1 $0x1;
	p0 =	seq.s32 s7, s2  }
0x1e: {  	s7 =	smul.u32 @!p0 $0xF7A, s2;
	p2 =	seq.s32 @!p0 s5, $0x0  }
0x1f: {  	s9 =	smul.u32 $0xF7A, s1;
	s8 =	simm.s32 @!p0 $0x1BF5;
	p2 =	por !p2, p0  }
0x20: {  	[sflag:s8] =	ssyncset.s32 @!p0 $0xFFFFF086;
	s6 =	sadd.s32 @!p0 s3, s7;
	s7 =	simm.s32 @!p0 $0x108  }
0x21: {  	s3 =	sadd.s32 s3, s9;
	s6 =	sadd.s32 @!p0 $0x88, s6;
	s7 =	simm.s32 @p2 $0x1082  }
0x22: {  	[simem:s7], [sflag:s8] =	dma.local @!p0 [hbm:s6], $0xF7A  }
0x23: {  	s9 =	sor.u32 $0xD0000000, s2;
	s6 =	simm.s32 $0x108;
	_ =	swait.ge @!p0 [sflag:s8], $0x0  }
0x24: {  	s3 =	sadd.s32 $0x88, s3;
	s6 =	simm.s32 @!p1 $0x1082;
	[sflag:s4] =	ssyncset.s32 $0xFFFFF086  }
0x25: {  	[simem:s6], [sflag:s4] =	dma.local [hbm:s3], $0xF7A  }
0x26: {  	[smem:$0x3F92] =	sst s1;
	(tag) =	ssettag s2;
	_ =	strace s9  }
0x27: {  	s1 =	sld [smem:$0x3FA2]  }
0x28: {  	s2 =	sld [smem:$0x3FA3]  }
0x29: {  	s4 =	sld [smem:$0x3FA5]  }
0x2a: {  	p0 =	seq.s32 s5, $0x0;
	s5 =	sld [smem:$0x3FA6]  }
0x2b: {  	s6 =	sld [smem:$0x3FA7]  }
0x2c: {  	s7 =	sld [smem:$0x3FA8]  }
0x2d: {  	s3 =	simm.s32 $0x108;
	s8 =	sld [smem:$0x3FA9]  }
0x2e: {  	s3 =	simm.s32 @!p0 $0x1082;
	s9 =	sld [smem:$0x3FAA]  }
0x2f: {  	lr =	sadd.s32 s0, s3;
	s0 =	sld [smem:$0x3FA1]  }
0x30: {  	s3 =	sld [smem:$0x3FA4]  }
0x31: {  	[smem:$0x3FAD] =	sst s10  }
0x32: {  	s10 =	sld [smem:$0x3FAB];
	_ =	sdelay $0x3  }
0x33: {  	p0 =	seq.s32 s10, $0x1;
	s10 =	sld [smem:$0x3FAD];
	_ =	sdelay $0x3  }
0x34: {  	[smem:$0x3FAD] =	sst s10  }
0x35: {  	s10 =	sld [smem:$0x3FAC];
	_ =	sdelay $0x3  }
0x36: {  	p1 =	seq.s32 s10, $0x1;
	s10 =	sld [smem:$0x3FAD];
	_ =	sdelay $0x3  }
0x37: {  	[smem:$0x3FAD] =	sst s10  }
0x38: {  	s10 =	sld [smem:$0x3FAE]  }
0x39: {  	_ = 	snop;
	(pc) =	sbr.ind lr, $3  }
0x3a: {  	_ = 	snop  }
0x3b: {  	_ = 	snop  }
0x3c: {  	p2 =	seq.s32 s10, $0x1;
	s10 =	sld [smem:$0x3FAD]  }
0x3d: {  	_ =	shalt  }
0x3e: {  	_ =	shalt  }
0x3f: {  	_ =	shalt  }
0x40: {  	_ =	shalt  }
0x41: {  	_ =	shalt  }
0x42: {  	_ =	shalt  }
0x43: {  	_ =	shalt  }
0x44: {  	_ =	shalt  }
0x45: {  	_ =	shalt  }
0x46: {  	_ =	shalt  }
0x47: {  	_ =	shalt  }
0x48: {  	_ =	shalt  }
0x49: {  	_ =	shalt  }
0x4a: {  	_ =	shalt  }
0x4b: {  	_ =	shalt  }
0x4c: {  	_ =	shalt  }
0x4d: {  	_ =	shalt  }
0x4e: {  	_ =	shalt  }
0x4f: {  	_ =	shalt  }
0x50: {  	_ =	shalt  }
0x51: {  	_ =	shalt  }
0x52: {  	_ =	shalt  }
0x53: {  	_ =	shalt  }
0x54: {  	_ =	shalt  }
0x55: {  	_ =	shalt  }
0x56: {  	_ =	shalt  }
0x57: {  	_ =	shalt  }
0x58: {  	_ =	shalt  }
0x59: {  	_ =	shalt  }
0x5a: {  	_ =	shalt  }
0x5b: {  	_ =	shalt  }
0x5c: {  	_ =	shalt  }
0x5d: {  	_ =	shalt  }
0x5e: {  	_ =	shalt  }
0x5f: {  	_ =	shalt  }
0x60: {  	_ =	shalt  }
0x61: {  	_ =	shalt  }
0x62: {  	_ =	shalt  }
0x63: {  	_ =	shalt  }
0x64: {  	_ =	shalt  }
0x65: {  	_ =	shalt  }
0x66: {  	_ =	shalt  }
0x67: {  	_ =	shalt  }
0x68: {  	_ =	shalt  }
0x69: {  	_ =	shalt  }
0x6a: {  	_ =	shalt  }
0x6b: {  	_ =	shalt  }
0x6c: {  	_ =	shalt  }
0x6d: {  	_ =	shalt  }
0x6e: {  	_ =	shalt  }
0x6f: {  	_ =	shalt  }
0x70: {  	_ =	shalt  }
0x71: {  	_ =	shalt  }
0x72: {  	_ =	shalt  }
0x73: {  	_ =	shalt  }
0x74: {  	_ =	shalt  }
0x75: {  	_ =	shalt  }
0x76: {  	_ =	shalt  }
0x77: {  	_ =	shalt  }
0x78: {  	_ =	shalt  }
0x79: {  	_ =	shalt  }
0x7a: {  	_ =	shalt  }
0x7b: {  	_ =	shalt  }
0x7c: {  	_ =	shalt  }
0x7d: {  	_ =	shalt  }
0x7e: {  	_ =	shalt  }
0x7f: {  	_ =	shalt  }
0x80: {  	_ =	shalt  }
0x81: {  	_ =	shalt  }
0x82: {  	_ =	shalt  }
0x83: {  	_ =	shalt  }
0x84: {  	_ =	shalt  }
0x85: {  	_ =	shalt  }
0x86: {  	_ =	shalt  }
0x87: {  	_ =	shalt  }
.Lfunc_end0:
.L_simem_size_0:
called_computation.2_lowered:
.L_overlay_start_0:
0x88: {  	s2 =	sld [smem:$0x3FD9]  }
0x89: {  	s3 =	sld [smem:$0x3FFE];
	_ =	sdelay $0x1  }
0x8a: {  	s1 =	srdreg.scid  }
0x8b: {  	s0 =	sand.u32 $0x1, s1  }
0x8c: {  	s17 =	sshll.u32 s0, $0xA;
	s2 =	sadd.s32 s3, s2  }
0x8d: {  	s2 =	sadd.s32 s2, s17  }
0x8e: {  	[smem:$0x3FB9] =	sst s2  }
0x8f: {  	_ = 	snop  }
0x90: {  	s2 =	sld [smem:$0x3FD0];
	(tm) =	ssettm $0x1  }
0x91: {  	s18 =	sld [smem:$0x3FFB];
	_ =	sdelay $0x3  }
0x92: {  	_ =	strace s18  }
0x93: {  	s3 =	sld [smem:$0x3FFC];
	_ =	sdelay $0x3  }
0x94: {  	_ =	strace s3  }
0x95: {  	s3 =	sld [smem:$0x3FFD];
	_ =	sdelay $0x3  }
0x96: {  	_ =	strace s3  }
0x97: {  	_ =	strace $0x8FFFFFFF  }
0x98: {  	s19 =	sld [smem:$0x3FDB];
	_ =	sdelay $0x1  }
0x99: {  	s4 =	simm.s32 $_scs_section_size  }
0x9a: {  	s5 =	simm.s32 $_size__tile_overlayer_lowered;
	s6 =	simm.s32 $_tile_overlayer_lowered  }
0x9b: {  	s22 =	simm.s32 $0x1BFF;
	s21 =	sshll.u32 s6, $0x1;
	s3 =	sadd.s32 s4, s19  }
0x9c: {  	s7 =	simm.s32 $0x0;
	s20 =	sshll.u32 s5, $0x1;
	s5 =	sadd.s32 s21, s3  }
0x9d: {  	[timem:s7], [sflag:s22] =	dma.local [hbm:s5], s20  }
0x9e: {  	_ =	swait.ge [sflag:s22], s20  }
0x9f: {  	s4 =	ssub.s32 $0x0, s20;
	[sflag:s22] =	ssyncset.done $0x0  }
0xa0: {  	[sflag:s22] =	ssyncadd.s32 s4;
	_ =	sdelay $0x1  }
0xa1: {  	s23 =	simm.s32 $0x1B8B  }
0xa2: {  	_ =	swait.ge [sflag:s23], $0x1  }
0xa3: {  	[sflag:s23] =	ssyncset.done $0x0  }
0xa4: {  	s25 =	simm.s32 $0x1B8E;
	s24 =	sld [smem:$0x3FFE];
	[sflag:s23] =	ssyncadd.s32 $0xFFFFFFFF  }
0xa5: {  	s26 =	simm.s32 $execute0_lowered;
	[smem:$0x3FD2] =	sst s25  }
0xa6: {  	s5 =	sshll.u32 s26, $0x1;
	_ =	strace $0x8000004C;
	[dreg:$0x1] =	wrdreg $0xFFFFFFFF  }
0xa7: {  	s28 =	simm.s32 $_size_execute0_lowered;
	s3 =	sadd.s32 s3, s5;
	[dreg:$0x0] =	wrdreg $0x0  }
0xa8: {  	s5 =	sshll.u32 s28, $0x1;
	[dreg:$0x2] =	wrdreg s3  }
0xa9: {  	[dreg:$0x3] =	wrdreg s5  }
0xaa: {  	[dreg:$0x4] =	wrdreg $0xC0  }
0xab: {  	_ =	task [dreg:s7], $0x5FFFF  }
0xac: {  	[dreg:$0x1] =	wrdreg $0xFFFFFFFF  }
0xad: {  	[dreg:$0x0] =	wrdreg $0x60  }
0xae: {  	[dreg:$0x2] =	wrdreg s24  }
0xaf: {  	[dreg:$0x3] =	wrdreg s2  }
0xb0: {  	[dreg:$0x4] =	wrdreg $0x0  }
0xb1: {  	[dreg:$0x5] =	wrdreg $0x9  }
0xb2: {  	_ =	task.clear_ibuf [dreg:s7], $0x6FFFF;
	_ =	strace $0x9000004C  }
0xb3: {  	s29 =	simm.s32 $0x9;
	_ =	strace $0x8000004E  }
0xb4: {  	_ =	swait.ge [sflag:s29], $0x1  }
0xb5: {  	[sflag:s29] =	ssyncadd.s32 $0xFFFFFFFF  }
0xb6: {  	_ =	strace $0x9000004E  }
0xb7: {  	_ =	sfence  }
0xb8: {  	s30 =	sld [smem:$0x0];
	_ =	sdelay $0x2  }
0xb9: {  	s31 =	sshll.u32 s1, $0xD;
	s1 =	sshrl.u32 s1, $0x2  }
0xba: {  	s3 =	sand.u32 $0x4000, s31;
	s1 =	sadd.s32 s1, s30  }
0xbb: {  	s0 =	sor.u32 s3, s0;
	s1 =	sshll.u32 s1, $0x11  }
0xbc: {  	s0 =	sor.u32 s1, s0  }
0xbd: {  	s0 =	sadd.s32 $0x8F2B, s0  }
0xbe: {  	[sflag:s0] =	ssyncadd.remote.s32 $0x1  }
0xbf: {  	_ =	sfence.sel $0xFFFF  }
0xc0: {  	[dreg:$0x0] =	wrdreg $0xFFFFFFFF;
	(pc) =	sbr.abs _section_cstart, $3  }
0xc1: {  	[dreg:$0x1] =	wrdreg $0xFFFFFFFF  }
0xc2: {  	_ =	task.clear_ibuf [dreg:s7], $0x2FFFF;
	_ =	strace $0x9FFFFFFF  }
0xc3: {  	(tm) =	ssettm $0x7FFFFFFF  }
tec
execute0_lowered:
.L_overlay_start_1:
0x0: {  	(tag) =	ssettag $0x1  }
0x1: {  	s5 =	rddreg [dreg:$0x0]  }
0x2: {  	s1 =	srdreg.scid;
	s0 =	rddreg [dreg:$0x1]  }
0x3: {  	s11 =	stileid.u32;
	s2 =	rddreg [dreg:$0x2]  }
0x4: {  	s3 =	simm.s32 $0x0;
	s15 =	simm.s32 $0x80;
	s16 =	simm.s32 $0x13A00  }
0x5: {  	s17 =	simm.s32 $0x13900;
	s18 =	simm.s32 $0x17A00;
	s19 =	simm.s32 $0x13980  }
0x6: {  	s20 =	simm.s32 $0x2;
	s21 =	simm.s32 $0x1;
	s7 =	smul.u32 $0x5000, s11  }
0x7: {  	s6 =	sand.u32 $0x1, s1;
	s1 =	rddreg [dreg:$0x3];
	s26 =	smul.u32 $0x4E000, s11  }
0x8: {  	s22 =	simm.s32 $0x0;
	[smem:$0x7FF] =	sst s3;
	s12 =	smul.u32 $0x13800, s11  }
0x9: {  	s8 =	sadd.s32 $0x4F200, s5;
	s29 =	sshll.u32 s11, $0x6;
	s4 =	smul.u32 $0x50000, s6  }
0xa: {  	s14 =	sadd.s32 $0x138000, s2;
	s28 =	ssub.s32 $0x2, s6;
	s6 =	smul.u32 $0x138800, s6  }
0xb: {  	p0 =	sne.s32 s11, $0x0;
	_ =	strace $0x8000004D;
	s9 =	sshrl.u32 s28, $0x1  }
0xc: {  	s4 =	sadd.s32 s7, s4;
	s9 =	ssub.s32 s28, s9;
	s30 =	sadd.s32 s12, s6  }
0xd: {  	s6 =	sshrl.u32 s6, $0x3;
	s12 =	simm.s32 $0x3;
	s7 =	sshrl.u32 s4, $0x3  }
0xe: {  	s4 =	sadd.s32 $0xE00, s5;
	s10 =	sadd.s32 s7, s5;
	s7 =	sshrl.u32 s26, $0x2  }
0xf: {  	s31 =	sadd.s32 s8, s6;
	s13 =	sadd.s32 s7, s2;
	s7 =	sshrl.u32 s30, $0x3  }
0x10: {  	s5 =	sor.u32 $0x1C03, s29;
	s6 =	sadd.s32 s8, s7;
	s7 =	sadd.s32 $0x27000, s31  }
0x11: {  	s8 =	smax.u32 s9, $0x1;
	s9 =	sadd.s32 $0xC5A00, s10;
	s10 =	sadd.s32 $0xD9A00, s10  }
0x12: {  	s11 =	sshrl.u32 s13, $0x3;
	s13 =	sshrl.u32 @!p0 s14, $0x3;
	s14 =	simm.s32 $0x13880  }
.LBB2_1:
0x13: {  	[spmem:s11], [sflag:s5] =	dma.local [hbm:s0], $0x2700  }
0x14: {  	_ =	swait.ge [sflag:s12], $0x2700  }
0x15: {  	[sflag:s12] =	ssyncset.done $0x0  }
0x16: {  	s23 =	simm.s32 @!p0 $0x3;
	[sflag:s12] =	ssyncadd.s32 $0xFFFFD900  }
0x17: {  	[spmem:s13], [sflag:s5] =	dma.local @!p0 [hbm:s0], $0x100  }
0x18: {  	_ =	swait.ge @!p0 [sflag:s23], $0x100  }
0x19: {  	[sflag:s23] =	ssyncset.done @!p0 $0x0  }
0x1a: {  	[sflag:s23] =	ssyncadd.s32 @!p0 $0xFFFFFF00  }
0x1b: {  	s30 =	sadd.s32 $0x0, s9;
	[bflag:$0x0] =	sbarrier.arrive $0xFFFF  }
0x1c: {  	[tilespmem:s14], [sflag:$0x3] =	stream.linear.gather [hbm4b:s30+s3], $0x80, $0x38;
	[tilespmem:$0x1BA00] =	vst v63  }
0x1d: {  	_ =	swait.ge [sflag:s12], $0x80  }
0x1e: {  	[sflag:s12] =	ssyncset.done $0x0  }
0x1f: {  	[sflag:s12] =	ssyncadd.s32 $0xFFFFFF80  }
0x20: {  	[tilespmem:s16], [sflag:$0x2] =	stream.indirect.gather [hbm4b:s4+s15], $0x80, s14, s15, $0xb8;
	[tilespmem:$0x1BA00] =	vst v63  }
0x21: {  	s23 =	sadd.s32 $0x10, s30  }
0x22: {  	[tilespmem:s17], [sflag:$0x3] =	stream.linear.gather [hbm4b:s23+s3], $0x80, $0x38;
	[tilespmem:$0x1BA00] =	vst v63  }
0x23: {  	_ =	swait.ge [sflag:s12], $0x80  }
0x24: {  	[sflag:s12] =	ssyncset.done $0x0  }
0x25: {  	[sflag:s12] =	ssyncadd.s32 $0xFFFFFF80  }
0x26: {  	[tilespmem:s18], [sflag:$0x1] =	stream.indirect.gather [hbm4b:s4+s15], $0x80, s17, s15, $0xb8;
	[tilespmem:$0x1BA00] =	vst v63  }
0x27: {  	s31 =	sadd.s32 $0x0, s10  }
0x28: {  	[tilespmem:s19], [sflag:$0x3] =	stream.linear.gather [hbm4b:s31+s3], $0x80, $0x38;
	[tilespmem:$0x1BA00] =	vst v63  }
0x29: {  	_ =	swait.ge [sflag:s12], $0x80  }
0x2a: {  	[sflag:s12] =	ssyncset.done $0x0  }
0x2b: {  	[sflag:s12] =	ssyncadd.s32 $0xFFFFFF80  }
0x2c: {  	_ =	swait.ge [sflag:s20], $0x4000  }
0x2d: {  	[sflag:s20] =	ssyncset.done $0x0  }
0x2e: {  	[sflag:s20] =	ssyncadd.s32 $0xFFFFC000  }
0x2f: {  	[spmem:s2] =	stream.indirect.scatter.add.f32 [tilespmem:s16], [sflag:$0x3], $0x80, s19, s15, $0xb8;
	[tilespmem:$0x1BA00] =	vst v63  }
0x30: {  	_ =	swait.ge [sflag:s12], $0x4000  }
0x31: {  	[sflag:s12] =	ssyncset.done $0x0  }
0x32: {  	s23 =	sadd.s32 $0x10, s31;
	[sflag:s12] =	ssyncadd.s32 $0xFFFFC000  }
0x33: {  	[tilespmem:s19], [sflag:$0x3] =	stream.linear.gather [hbm4b:s23+s3], $0x80, $0x38;
	[tilespmem:$0x1BA00] =	vst v63  }
0x34: {  	_ =	swait.ge [sflag:s12], $0x80  }
0x35: {  	[sflag:s12] =	ssyncset.done $0x0  }
0x36: {  	[sflag:s12] =	ssyncadd.s32 $0xFFFFFF80  }
0x37: {  	_ =	swait.ge [sflag:s21], $0x4000  }
0x38: {  	[sflag:s21] =	ssyncset.done $0x0  }
0x39: {  	[sflag:s21] =	ssyncadd.s32 $0xFFFFC000  }
0x3a: {  	[spmem:s2] =	stream.indirect.scatter.add.f32 [tilespmem:s18], [sflag:$0x3], $0x80, s19, s15, $0xb8;
	[tilespmem:$0x1BA00] =	vst v63  }
0x3b: {  	_ =	swait.ge [sflag:s12], $0x4000  }
0x3c: {  	s25 =	simm.s32 $0x40;
	s23 =	simm.s32 $0x20;
	[sflag:s12] =	ssyncset.done $0x0  }
.LBB2_2:
0x3d: {  	s26 =	sadd.s32 s23, s9  }
0x3e: {  	[sflag:s12] =	ssyncadd.s32 $0xFFFFC000;
	s28 =	smov.u32 s25;
	s24 =	sadd.s32 $0x20, s25  }
0x3f: {  	[tilespmem:s14], [sflag:$0x3] =	stream.linear.gather [hbm4b:s26+s3], $0x80, $0x38;
	[tilespmem:$0x1BA00] =	vst v63  }
0x40: {  	p1 =	sne.s32 s25, $0x9E0;
	_ =	swait.ge [sflag:s12], $0x80  }
0x41: {  	[sflag:s12] =	ssyncset.done $0x0  }
0x42: {  	[sflag:s12] =	ssyncadd.s32 $0xFFFFFF80  }
0x43: {  	[tilespmem:s16], [sflag:$0x2] =	stream.indirect.gather [hbm4b:s4+s15], $0x80, s14, s15, $0xb8;
	[tilespmem:$0x1BA00] =	vst v63  }
0x44: {  	s25 =	sadd.s32 $0x10, s26  }
0x45: {  	[tilespmem:s17], [sflag:$0x3] =	stream.linear.gather [hbm4b:s25+s3], $0x80, $0x38;
	[tilespmem:$0x1BA00] =	vst v63  }
0x46: {  	_ =	swait.ge [sflag:s12], $0x80  }
0x47: {  	[sflag:s12] =	ssyncset.done $0x0  }
0x48: {  	[sflag:s12] =	ssyncadd.s32 $0xFFFFFF80  }
0x49: {  	[tilespmem:s18], [sflag:$0x1] =	stream.indirect.gather [hbm4b:s4+s15], $0x80, s17, s15, $0xb8;
	[tilespmem:$0x1BA00] =	vst v63  }
0x4a: {  	s25 =	sadd.s32 s23, s10;
	s23 =	smov.u32 s28  }
0x4b: {  	[tilespmem:s19], [sflag:$0x3] =	stream.linear.gather [hbm4b:s25+s3], $0x80, $0x38;
	[tilespmem:$0x1BA00] =	vst v63  }
0x4c: {  	_ =	swait.ge [sflag:s12], $0x80  }
0x4d: {  	[sflag:s12] =	ssyncset.done $0x0  }
0x4e: {  	[sflag:s12] =	ssyncadd.s32 $0xFFFFFF80  }
0x4f: {  	_ =	swait.ge [sflag:s20], $0x4000  }
0x50: {  	[sflag:s20] =	ssyncset.done $0x0  }
0x51: {  	[sflag:s20] =	ssyncadd.s32 $0xFFFFC000  }
0x52: {  	[spmem:s2] =	stream.indirect.scatter.add.f32 [tilespmem:s16], [sflag:$0x3], $0x80, s19, s15, $0xb8;
	[tilespmem:$0x1BA00] =	vst v63  }
0x53: {  	_ =	swait.ge [sflag:s12], $0x4000  }
0x54: {  	[sflag:s12] =	ssyncset.done $0x0  }
0x55: {  	s25 =	sadd.s32 $0x10, s25;
	[sflag:s12] =	ssyncadd.s32 $0xFFFFC000  }
0x56: {  	[tilespmem:s19], [sflag:$0x3] =	stream.linear.gather [hbm4b:s25+s3], $0x80, $0x38;
	[tilespmem:$0x1BA00] =	vst v63  }
0x57: {  	_ =	swait.ge [sflag:s12], $0x80  }
0x58: {  	[sflag:s12] =	ssyncset.done $0x0  }
0x59: {  	[sflag:s12] =	ssyncadd.s32 $0xFFFFFF80  }
0x5a: {  	_ =	swait.ge [sflag:s21], $0x4000  }
.Ltmp0:
0x5b: {  	[sflag:s21] =	ssyncset.done $0x0;
	(pc) =	sbr.rel @p1 .LBB2_2-.Ltmp0, $4  }
0x5c: {  	[sflag:s21] =	ssyncadd.s32 $0xFFFFC000  }
0x5d: {  	[spmem:s2] =	stream.indirect.scatter.add.f32 [tilespmem:s18], [sflag:$0x3], $0x80, s19, s15, $0xb8;
	[tilespmem:$0x1BA00] =	vst v63  }
0x5e: {  	_ =	swait.ge [sflag:s12], $0x4000  }
0x5f: {  	s25 =	smov.u32 s24;
	[sflag:s12] =	ssyncset.done $0x0  }
0x60: {  	s24 =	sadd.s32 s23, s9;
	[sflag:s12] =	ssyncadd.s32 $0xFFFFC000  }
0x61: {  	[tilespmem:s14], [sflag:$0x3] =	stream.linear.gather [hbm4b:s24+s3], $0x80, $0x38;
	[tilespmem:$0x1BA00] =	vst v63  }
0x62: {  	_ =	swait.ge [sflag:s12], $0x80  }
0x63: {  	[sflag:s12] =	ssyncset.done $0x0  }
0x64: {  	[sflag:s12] =	ssyncadd.s32 $0xFFFFFF80  }
0x65: {  	[tilespmem:s16], [sflag:$0x2] =	stream.indirect.gather [hbm4b:s4+s15], $0x80, s14, s15, $0xb8;
	[tilespmem:$0x1BA00] =	vst v63  }
0x66: {  	s24 =	sadd.s32 $0x10, s24  }
0x67: {  	[tilespmem:s17], [sflag:$0x3] =	stream.linear.gather [hbm4b:s24+s3], $0x80, $0x38;
	[tilespmem:$0x1BA00] =	vst v63  }
0x68: {  	_ =	swait.ge [sflag:s12], $0x80  }
0x69: {  	[sflag:s12] =	ssyncset.done $0x0  }
0x6a: {  	[sflag:s12] =	ssyncadd.s32 $0xFFFFFF80  }
0x6b: {  	[tilespmem:s18], [sflag:$0x1] =	stream.indirect.gather [hbm4b:s4+s15], $0x80, s17, s15, $0xb8;
	[tilespmem:$0x1BA00] =	vst v63  }
0x6c: {  	s31 =	sadd.s32 s23, s10  }
0x6d: {  	[tilespmem:s19], [sflag:$0x3] =	stream.linear.gather [hbm4b:s31+s3], $0x80, $0x38;
	[tilespmem:$0x1BA00] =	vst v63  }
0x6e: {  	_ =	swait.ge [sflag:s12], $0x80  }
0x6f: {  	[sflag:s12] =	ssyncset.done $0x0  }
0x70: {  	[sflag:s12] =	ssyncadd.s32 $0xFFFFFF80  }
0x71: {  	_ =	swait.ge [sflag:s20], $0x4000  }
0x72: {  	[sflag:s20] =	ssyncset.done $0x0  }
0x73: {  	[sflag:s20] =	ssyncadd.s32 $0xFFFFC000  }
0x74: {  	[spmem:s2] =	stream.indirect.scatter.add.f32 [tilespmem:s16], [sflag:$0x3], $0x80, s19, s15, $0xb8;
	[tilespmem:$0x1BA00] =	vst v63  }
0x75: {  	_ =	swait.ge [sflag:s12], $0x4000  }
0x76: {  	[sflag:s12] =	ssyncset.done $0x0  }
0x77: {  	s23 =	sadd.s32 $0x10, s31;
	[sflag:s12] =	ssyncadd.s32 $0xFFFFC000  }
0x78: {  	[tilespmem:s19], [sflag:$0x3] =	stream.linear.gather [hbm4b:s23+s3], $0x80, $0x38;
	[tilespmem:$0x1BA00] =	vst v63  }
0x79: {  	_ =	swait.ge [sflag:s12], $0x80  }
0x7a: {  	[sflag:s12] =	ssyncset.done $0x0  }
0x7b: {  	[sflag:s12] =	ssyncadd.s32 $0xFFFFFF80  }
0x7c: {  	_ =	swait.ge [sflag:s21], $0x4000  }
0x7d: {  	[sflag:s21] =	ssyncset.done $0x0  }
0x7e: {  	[sflag:s21] =	ssyncadd.s32 $0xFFFFC000  }
0x7f: {  	[spmem:s2] =	stream.indirect.scatter.add.f32 [tilespmem:s18], [sflag:$0x3], $0x80, s19, s15, $0xb8;
	[tilespmem:$0x1BA00] =	vst v63  }
0x80: {  	_ =	swait.ge [sflag:s12], $0x4000  }
0x81: {  	[sflag:s12] =	ssyncset.done $0x0  }
0x82: {  	[sflag:s12] =	ssyncadd.s32 $0xFFFFC000  }
0x83: {  	[bflag:$0x0] =	sbarrier.arrive $0xFFFF  }
0x84: {  	[hbm:s6], [sflag:s5] =	dma.local [spmem:s11], $0x2700  }
0x85: {  	s22 =	sadd.s32 $0x1, s22;
	_ =	swait.ge [sflag:s12], $0x2700  }
0x86: {  	p1 =	sne.s32 s22, s8;
	[sflag:s12] =	ssyncset.done $0x0  }
.Ltmp1:
0x87: {  	s23 =	simm.s32 @!p0 $0x3;
	[sflag:s12] =	ssyncadd.s32 $0xFFFFD900;
	(pc) =	sbr.rel @p1 .LBB2_1-.Ltmp1, $4  }
0x88: {  	[hbm:s7], [sflag:s5] =	dma.local @!p0 [spmem:s13], $0x100  }
0x89: {  	_ =	swait.ge @!p0 [sflag:s23], $0x100  }
0x8a: {  	[sflag:s23] =	ssyncset.done @!p0 $0x0  }
0x8b: {  	[sflag:s23] =	ssyncadd.s32 @!p0 $0xFFFFFF00  }
0x8c: {  	_ =	sfence.sel $0x180000  }
0x8d: {  	[bflag:$0x0] =	sbarrier.arrive $0xFFFF  }
0x8e: {  	_ =	strace $0x9000004D  }
0x8f: {  	s0 =	sadd.s32 @!p0 $0x100000, s1;
	[bflag:$0x2] =	sbarrier.arrive $0xFFFF  }
0x90: {  	[sflag:s0] =	ssyncadd.tile.s32 @!p0 $0x1;
	_ =	shalt  }
.Lfunc_end2:
_tile_overlayer_lowered:
.L_overlay_start_2:
0x91: {  	(tag) =	ssettag $0x2  }
0x92: {  	s0 =	rddreg [dreg:$0x0];
	s2 =	stileid.u32  }
0x93: {  	s1 =	rddreg [dreg:$0x1];
	p0 =	sne.s32 s2, $0x0  }
0x94: {  	s3 =	rddreg [dreg:$0x2];
	[bflag:$0x3] =	sbarrier.arrive $0xFFFF;
	s2 =	simm.s32 @!p0 $0x1C03  }
0x95: {  	[timem:s3], [sflag:s2] =	dma.local @!p0 [hbm:s0], s1  }
0x96: {  	s0 =	simm.s32 @!p0 $0x3  }
0x97: {  	_ =	swait.ge @!p0 [sflag:s0], s1  }
0x98: {  	s1 =	ssub.s32 @!p0 $0x0, s1;
	[sflag:s0] =	ssyncset.done @!p0 $0x0  }
0x99: {  	[sflag:s0] =	ssyncadd.s32 @!p0 s1  }
0x9a: {  	[bflag:$0x3] =	sbarrier.arrive $0xFFFF  }
0x9b: {  	_ =	shalt  }

// kernel: kernel.8.cloned.1.call-start
scs
__scs_entry_jumppad:
0x0: {  	(pc) =	sbr.rel $0x88, $3  }
0x1: {  	(tag) =	ssettag $0x0;
	lr =	simm.s32 $0x1  }
0x2: {  	[smem:$0x3F92] =	sst lr;
	_ =	strace $0xD0000000  }
0x3: {  	_ = 	snop  }
0x4: {  	_ = 	snop  }
0x5: {  	_ = 	snop  }
0x6: {  	_ = 	snop  }
0x7: {  	_ = 	snop  }
__scs_overlays_trampoline_lowered:
0x8: {  	[smem:$0x3FA1] =	sst s0  }
0x9: {  	[smem:$0x3FA2] =	sst s1  }
0xa: {  	[smem:$0x3FA3] =	sst s2  }
0xb: {  	[smem:$0x3FA4] =	sst s3  }
0xc: {  	[smem:$0x3FA5] =	sst s4  }
0xd: {  	[smem:$0x3FA6] =	sst s5  }
0xe: {  	[smem:$0x3FA7] =	sst s6  }
0xf: {  	[smem:$0x3FA8] =	sst s7  }
0x10: {  	[smem:$0x3FA9] =	sst s8  }
0x11: {  	[smem:$0x3FAA] =	sst s9;
	s0 =	simm.s32 @!p0 $0x0  }
0x12: {  	s1 =	sld [smem:$0x3F90];
	s0 =	simm.s32 @p0 $0x1  }
0x13: {  	[smem:$0x3FAB] =	sst s0;
	s0 =	simm.s32 @!p1 $0x0  }
0x14: {  	s2 =	sld [smem:$0x3F8F];
	s0 =	simm.s32 @p1 $0x1  }
0x15: {  	[smem:$0x3FAC] =	sst s0;
	s0 =	simm.s32 @!p2 $0x0  }
0x16: {  	s3 =	sld [smem:$0x3FDB];
	s0 =	simm.s32 @p2 $0x1  }
0x17: {  	s4 =	simm.s32 $0x1BF5;
	[smem:$0x3FAE] =	sst s0  }
0x18: {  	s0 =	sld [smem:$0x3F91];
	_ =	swait.ge [sflag:s4], $0x0  }
0x19: {  	s7 =	sld [smem:$0x3F92]  }
0x1a: {  	s8 =	sadd.s32 $0xFFFFE003, lr  }
0x1b: {  	s9 =	sadd.s32 $0xFFFFFEF7, lr;
	s5 =	simm.s32 $0xFFFFFFFF;
	p2 =	slt.u32 s8, $0xFFFFF086  }
0x1c: {  	p1 =	slt.u32 s9, $0xF7A;
	s5 =	simm.s32 @!p2 $0x0  }
0x1d: {  	s5 =	simm.s32 @p1 $0x1;
	p0 =	seq.s32 s7, s2  }
0x1e: {  	s7 =	smul.u32 @!p0 $0xF7A, s2;
	p2 =	seq.s32 @!p0 s5, $0x0  }
0x1f: {  	s9 =	smul.u32 $0xF7A, s1;
	s8 =	simm.s32 @!p0 $0x1BF5;
	p2 =	por !p2, p0  }
0x20: {  	[sflag:s8] =	ssyncset.s32 @!p0 $0xFFFFF086;
	s6 =	sadd.s32 @!p0 s3, s7;
	s7 =	simm.s32 @!p0 $0x108  }
0x21: {  	s3 =	sadd.s32 s3, s9;
	s6 =	sadd.s32 @!p0 $0x88, s6;
	s7 =	simm.s32 @p2 $0x1082  }
0x22: {  	[simem:s7], [sflag:s8] =	dma.local @!p0 [hbm:s6], $0xF7A  }
0x23: {  	s9 =	sor.u32 $0xD0000000, s2;
	s6 =	simm.s32 $0x108;
	_ =	swait.ge @!p0 [sflag:s8], $0x0  }
0x24: {  	s3 =	sadd.s32 $0x88, s3;
	s6 =	simm.s32 @!p1 $0x1082;
	[sflag:s4] =	ssyncset.s32 $0xFFFFF086  }
0x25: {  	[simem:s6], [sflag:s4] =	dma.local [hbm:s3], $0xF7A  }
0x26: {  	[smem:$0x3F92] =	sst s1;
	(tag) =	ssettag s2;
	_ =	strace s9  }
0x27: {  	s1 =	sld [smem:$0x3FA2]  }
0x28: {  	s2 =	sld [smem:$0x3FA3]  }
0x29: {  	s4 =	sld [smem:$0x3FA5]  }
0x2a: {  	p0 =	seq.s32 s5, $0x0;
	s5 =	sld [smem:$0x3FA6]  }
0x2b: {  	s6 =	sld [smem:$0x3FA7]  }
0x2c: {  	s7 =	sld [smem:$0x3FA8]  }
0x2d: {  	s3 =	simm.s32 $0x108;
	s8 =	sld [smem:$0x3FA9]  }
0x2e: {  	s3 =	simm.s32 @!p0 $0x1082;
	s9 =	sld [smem:$0x3FAA]  }
0x2f: {  	lr =	sadd.s32 s0, s3;
	s0 =	sld [smem:$0x3FA1]  }
0x30: {  	s3 =	sld [smem:$0x3FA4]  }
0x31: {  	[smem:$0x3FAD] =	sst s10  }
0x32: {  	s10 =	sld [smem:$0x3FAB];
	_ =	sdelay $0x3  }
0x33: {  	p0 =	seq.s32 s10, $0x1;
	s10 =	sld [smem:$0x3FAD];
	_ =	sdelay $0x3  }
0x34: {  	[smem:$0x3FAD] =	sst s10  }
0x35: {  	s10 =	sld [smem:$0x3FAC];
	_ =	sdelay $0x3  }
0x36: {  	p1 =	seq.s32 s10, $0x1;
	s10 =	sld [smem:$0x3FAD];
	_ =	sdelay $0x3  }
0x37: {  	[smem:$0x3FAD] =	sst s10  }
0x38: {  	s10 =	sld [smem:$0x3FAE]  }
0x39: {  	_ = 	snop;
	(pc) =	sbr.ind lr, $3  }
0x3a: {  	_ = 	snop  }
0x3b: {  	_ = 	snop  }
0x3c: {  	p2 =	seq.s32 s10, $0x1;
	s10 =	sld [smem:$0x3FAD]  }
0x3d: {  	_ =	shalt  }
0x3e: {  	_ =	shalt  }
0x3f: {  	_ =	shalt  }
0x40: {  	_ =	shalt  }
0x41: {  	_ =	shalt  }
0x42: {  	_ =	shalt  }
0x43: {  	_ =	shalt  }
0x44: {  	_ =	shalt  }
0x45: {  	_ =	shalt  }
0x46: {  	_ =	shalt  }
0x47: {  	_ =	shalt  }
0x48: {  	_ =	shalt  }
0x49: {  	_ =	shalt  }
0x4a: {  	_ =	shalt  }
0x4b: {  	_ =	shalt  }
0x4c: {  	_ =	shalt  }
0x4d: {  	_ =	shalt  }
0x4e: {  	_ =	shalt  }
0x4f: {  	_ =	shalt  }
0x50: {  	_ =	shalt  }
0x51: {  	_ =	shalt  }
0x52: {  	_ =	shalt  }
0x53: {  	_ =	shalt  }
0x54: {  	_ =	shalt  }
0x55: {  	_ =	shalt  }
0x56: {  	_ =	shalt  }
0x57: {  	_ =	shalt  }
0x58: {  	_ =	shalt  }
0x59: {  	_ =	shalt  }
0x5a: {  	_ =	shalt  }
0x5b: {  	_ =	shalt  }
0x5c: {  	_ =	shalt  }
0x5d: {  	_ =	shalt  }
0x5e: {  	_ =	shalt  }
0x5f: {  	_ =	shalt  }
0x60: {  	_ =	shalt  }
0x61: {  	_ =	shalt  }
0x62: {  	_ =	shalt  }
0x63: {  	_ =	shalt  }
0x64: {  	_ =	shalt  }
0x65: {  	_ =	shalt  }
0x66: {  	_ =	shalt  }
0x67: {  	_ =	shalt  }
0x68: {  	_ =	shalt  }
0x69: {  	_ =	shalt  }
0x6a: {  	_ =	shalt  }
0x6b: {  	_ =	shalt  }
0x6c: {  	_ =	shalt  }
0x6d: {  	_ =	shalt  }
0x6e: {  	_ =	shalt  }
0x6f: {  	_ =	shalt  }
0x70: {  	_ =	shalt  }
0x71: {  	_ =	shalt  }
0x72: {  	_ =	shalt  }
0x73: {  	_ =	shalt  }
0x74: {  	_ =	shalt  }
0x75: {  	_ =	shalt  }
0x76: {  	_ =	shalt  }
0x77: {  	_ =	shalt  }
0x78: {  	_ =	shalt  }
0x79: {  	_ =	shalt  }
0x7a: {  	_ =	shalt  }
0x7b: {  	_ =	shalt  }
0x7c: {  	_ =	shalt  }
0x7d: {  	_ =	shalt  }
0x7e: {  	_ =	shalt  }
0x7f: {  	_ =	shalt  }
0x80: {  	_ =	shalt  }
0x81: {  	_ =	shalt  }
0x82: {  	_ =	shalt  }
0x83: {  	_ =	shalt  }
0x84: {  	_ =	shalt  }
0x85: {  	_ =	shalt  }
0x86: {  	_ =	shalt  }
0x87: {  	_ =	shalt  }
.Lfunc_end0:
.L_simem_size_0:
called_computation_lowered:
.L_overlay_start_0:
0x88: {  	s2 =	sld [smem:$0x3FD9]  }
0x89: {  	s3 =	sld [smem:$0x3FFE];
	_ =	sdelay $0x1  }
0x8a: {  	s1 =	srdreg.scid  }
0x8b: {  	s0 =	sand.u32 $0x1, s1  }
0x8c: {  	s17 =	sshll.u32 s0, $0xA;
	s2 =	sadd.s32 s3, s2  }
0x8d: {  	s2 =	sadd.s32 s2, s17  }
0x8e: {  	[smem:$0x3FB9] =	sst s2  }
0x8f: {  	_ = 	snop  }
0x90: {  	s2 =	sld [smem:$0x3FD0];
	(tm) =	ssettm $0x1  }
0x91: {  	s18 =	sld [smem:$0x3FFB];
	_ =	sdelay $0x3  }
0x92: {  	_ =	strace s18  }
0x93: {  	s3 =	sld [smem:$0x3FFC];
	_ =	sdelay $0x3  }
0x94: {  	_ =	strace s3  }
0x95: {  	s3 =	sld [smem:$0x3FFD];
	_ =	sdelay $0x3  }
0x96: {  	_ =	strace s3  }
0x97: {  	_ =	strace $0x8FFFFFFF  }
0x98: {  	s19 =	sld [smem:$0x3FDB];
	_ =	sdelay $0x1  }
0x99: {  	s4 =	simm.s32 $_scs_section_size  }
0x9a: {  	s5 =	simm.s32 $_size__tile_overlayer_lowered;
	s6 =	simm.s32 $_tile_overlayer_lowered  }
0x9b: {  	s22 =	simm.s32 $0x1BFF;
	s21 =	sshll.u32 s6, $0x1;
	s3 =	sadd.s32 s4, s19  }
0x9c: {  	s7 =	simm.s32 $0x0;
	s20 =	sshll.u32 s5, $0x1;
	s5 =	sadd.s32 s21, s3  }
0x9d: {  	[timem:s7], [sflag:s22] =	dma.local [hbm:s5], s20  }
0x9e: {  	_ =	swait.ge [sflag:s22], s20  }
0x9f: {  	s4 =	ssub.s32 $0x0, s20;
	[sflag:s22] =	ssyncset.done $0x0  }
0xa0: {  	[sflag:s22] =	ssyncadd.s32 s4;
	_ =	sdelay $0x1  }
0xa1: {  	s23 =	simm.s32 $0x1B8B  }
0xa2: {  	_ =	swait.ge [sflag:s23], $0x1  }
0xa3: {  	[sflag:s23] =	ssyncset.done $0x0  }
0xa4: {  	s25 =	simm.s32 $0x1B8E;
	s24 =	sld [smem:$0x3FFE];
	[sflag:s23] =	ssyncadd.s32 $0xFFFFFFFF  }
0xa5: {  	s26 =	simm.s32 $execute0_lowered;
	[smem:$0x3FD2] =	sst s25  }
0xa6: {  	s5 =	sshll.u32 s26, $0x1;
	_ =	strace $0x80000046;
	[dreg:$0x1] =	wrdreg $0xFFFFFFFF  }
0xa7: {  	s28 =	simm.s32 $_size_execute0_lowered;
	s3 =	sadd.s32 s3, s5;
	[dreg:$0x0] =	wrdreg $0x0  }
0xa8: {  	s5 =	sshll.u32 s28, $0x1;
	[dreg:$0x2] =	wrdreg s3  }
0xa9: {  	[dreg:$0x3] =	wrdreg s5  }
0xaa: {  	[dreg:$0x4] =	wrdreg $0xC0  }
0xab: {  	_ =	task [dreg:s7], $0x5FFFF  }
0xac: {  	[dreg:$0x1] =	wrdreg $0xFFFFFFFF  }
0xad: {  	[dreg:$0x0] =	wrdreg $0x60  }
0xae: {  	[dreg:$0x2] =	wrdreg s24  }
0xaf: {  	[dreg:$0x3] =	wrdreg s2  }
0xb0: {  	[dreg:$0x4] =	wrdreg $0x9  }
0xb1: {  	_ =	task.clear_ibuf [dreg:s7], $0x5FFFF;
	_ =	strace $0x90000046  }
0xb2: {  	s29 =	simm.s32 $0x9;
	_ =	strace $0x80000048  }
0xb3: {  	_ =	swait.ge [sflag:s29], $0x1  }
0xb4: {  	[sflag:s29] =	ssyncadd.s32 $0xFFFFFFFF  }
0xb5: {  	_ =	strace $0x90000048  }
0xb6: {  	_ =	sfence  }
0xb7: {  	s30 =	sld [smem:$0x0];
	_ =	sdelay $0x2  }
0xb8: {  	s31 =	sshll.u32 s1, $0xD;
	s1 =	sshrl.u32 s1, $0x2  }
0xb9: {  	s3 =	sand.u32 $0x4000, s31;
	s1 =	sadd.s32 s1, s30  }
0xba: {  	s0 =	sor.u32 s3, s0;
	s1 =	sshll.u32 s1, $0x11  }
0xbb: {  	s0 =	sor.u32 s1, s0  }
0xbc: {  	s0 =	sadd.s32 $0x8F2B, s0  }
0xbd: {  	[sflag:s0] =	ssyncadd.remote.s32 $0x1  }
0xbe: {  	_ =	sfence.sel $0xFFFF  }
0xbf: {  	[dreg:$0x0] =	wrdreg $0xFFFFFFFF;
	(pc) =	sbr.abs _section_cstart, $3  }
0xc0: {  	[dreg:$0x1] =	wrdreg $0xFFFFFFFF  }
0xc1: {  	_ =	task.clear_ibuf [dreg:s7], $0x2FFFF;
	_ =	strace $0x9FFFFFFF  }
0xc2: {  	(tm) =	ssettm $0x7FFFFFFF  }
0xc3: {  	_ =	shalt  }
tec
execute0_lowered:
.L_overlay_start_1:
0x0: {  	(tag) =	ssettag $0x1  }
0x1: {  	s5 =	rddreg [dreg:$0x0]  }
0x2: {  	s0 =	srdreg.scid;
	s6 =	rddreg [dreg:$0x1]  }
0x3: {  	s2 =	simm.s32 $0x0;
	s11 =	simm.s32 $0x400;
	s4 =	sand.u32 $0x1, s0  }
0x4: {  	s12 =	simm.s32 $0x0;
	s0 =	stileid.u32;
	s1 =	sshll.u32 s4, $0x4  }
0x5: {  	[smem:$0x7FF] =	sst s2;
	s29 =	sshll.u32 s0, $0x7;
	s7 =	sor.u32 s0, s1  }
0x6: {  	s10 =	ssub.s32 $0x2, s4;
	s4 =	sadd.s32 $0x4F000, s5;
	s3 =	sshrl.u32 s7, $0x3  }
0x7: {  	s1 =	rddreg [dreg:$0x2];
	s30 =	sshrl.u32 s10, $0x1;
	s8 =	smul.u32 $0x13C00, s3  }
0x8: {  	_ =	strace $0x80000047;
	s9 =	sand.u32 $0x380, s29;
	s31 =	ssub.s32 s10, s30  }
0x9: {  	s10 =	simm.s32 $0x80;
	s3 =	sadd.s32 $0xE00, s5;
	s8 =	sor.u32 s9, s8  }
0xa: {  	s5 =	smul.u32 $0x13880, s7;
	s7 =	smax.u32 s31, $0x1;
	s8 =	sshrl.u32 s8, $0x3  }
0xb: {  	v0 =	vimm.f32 $1.000000000e+00;
	s9 =	simm.s32 $0x2780;
	s6 =	sadd.s32 s6, s8;
	s8 =	simm.s32 $0x1  }
.LBB2_1:
0xc: {  	[tilespmem:s2], [sflag:$0x1] =	stream.linear.gather [hbm4b:s4+s2], $0x2780, $0x38;
	[tilespmem:$0x2F80] =	vst v63  }
0xd: {  	_ =	swait.ge [sflag:s8], $0x2780  }
0xe: {  	[sflag:s8] =	ssyncset.done $0x0  }
0xf: {  	s13 =	simm.s32 $0x0;
	[sflag:s8] =	ssyncadd.s32 $0xFFFFD880  }
.LBB2_2:
0x10: {  	s14 =	smul.u32 $0x7D0, s13;
	_ =	sdelay $0x1  }
0x11: {  	s14 =	sadd.s32 s5, s14  }
0x12: {  	s14 =	sshrl.u32 s14, $0x3  }
0x13: {  	s15 =	simm.s32 $0x0;
	s14 =	sadd.s32 s3, s14  }
0x14: {  	[tilespmem:s9], [sflag:$0x1] =	stream.linear.gather [hbm4b:s14+s15], $0x7D0, $0x38;
	[tilespmem:$0x2F80] =	vst v63  }
0x15: {  	_ =	swait.ge [sflag:s8], $0x7D0  }
0x16: {  	[sflag:s8] =	ssyncset.done $0x0  }
0x17: {  	s15 =	simm.s32 $0x0;
	s14 =	simm.s32 $0x40;
	[sflag:s8] =	ssyncadd.s32 $0xFFFFF830  }
.LBB2_3:
0x18: {  	p0 =	sne.s32 s14, $0x1F00;
	v1 =	vld [tilespmem:s15+$0x2780];
	_ =	sdelay $0x3  }
.Ltmp0:
0x19: {  	(pc) =	sbr.rel @p0 .LBB2_3-.Ltmp0, $2  }
0x1a: {  	_ =	sdelay $0x2  }
0x1b: {  	s15 =	sshra.s32 s14, $0x2;
	s14 =	sadd.s32 $0x40, s14;
	[tilespmem:v1+s2+$0x0] =	vst.idx.add.f32.msk $0xffff, v0  }
0x1c: {  	v1 =	vld [tilespmem:s15+$0x2780];
	_ =	sdelay $0x1  }
0x1d: {  	s13 =	sadd.s32 $0x1, s13  }
0x1e: {  	p0 =	sne.s32 s13, $0x28  }
.Ltmp1:
0x1f: {  	_ = 	snop;
	(pc) =	sbr.rel @p0 .LBB2_2-.Ltmp1, $2  }
0x20: {  	_ =	sdelay $0x2  }
0x21: {  	[tilespmem:v1+s2+$0x0] =	vst.idx.add.f32.msk $0xffff, v0  }
0x22: {  	s12 =	sadd.s32 $0x1, s12  }
0x23: {  	p0 =	sne.s32 s12, s7  }
.Ltmp2:
0x24: {  	_ = 	snop;
	(pc) =	sbr.rel @p0 .LBB2_1-.Ltmp2, $4  }
0x25: {  	[hbm4b:s6+s10] =	stream.strided.scatter [tilespmem:s2], [sflag:$0x1], $0x2780, s11, s10, $0x38;
	[tilespmem:$0x2F80] =	vst v63  }
0x26: {  	_ =	swait.ge [sflag:s8], $0x2780  }
0x27: {  	[sflag:s8] =	ssyncset.done $0x0  }
0x28: {  	[sflag:s8] =	ssyncadd.s32 $0xFFFFD880  }
0x29: {  	_ =	sfence.sel $0x180000  }
0x2a: {  	[bflag:$0x0] =	sbarrier.arrive $0xFFFF  }
0x2b: {  	p0 =	sne.s32 s0, $0x0;
	_ =	strace $0x90000047  }
0x2c: {  	s0 =	sadd.s32 @!p0 $0x100000, s1;
	[bflag:$0x2] =	sbarrier.arrive $0xFFFF  }
0x2d: {  	[sflag:s0] =	ssyncadd.tile.s32 @!p0 $0x1;
	_ =	shalt  }
.Lfunc_end2:
_tile_overlayer_lowered:
.L_overlay_start_2:
0x2e: {  	(tag) =	ssettag $0x2  }
0x2f: {  	s0 =	rddreg [dreg:$0x0];
	s2 =	stileid.u32  }
0x30: {  	s1 =	rddreg [dreg:$0x1];
	p0 =	sne.s32 s2, $0x0  }
0x31: {  	s3 =	rddreg [dreg:$0x2];
	[bflag:$0x3] =	sbarrier.arrive $0xFFFF;
	s2 =	simm.s32 @!p0 $0x1C01  }
0x32: {  	[timem:s3], [sflag:s2] =	dma.local @!p0 [hbm:s0], s1  }
0x33: {  	s0 =	simm.s32 @!p0 $0x1  }
0x34: {  	_ =	swait.ge @!p0 [sflag:s0], s1  }
0x35: {  	s1 =	ssub.s32 @!p0 $0x0, s1;
	[sflag:s0] =	ssyncset.done @!p0 $0x0  }
0x36: {  	[sflag:s0] =	ssyncadd.s32 @!p0 s1  }
0x37: {  	[bflag:$0x3] =	sbarrier.arrive $0xFFFF  }
0x38: {  	_ =	shalt  }

</sc_bundles>
